<compile_context>
chip_gen: v7x
topology: tpu7x:2x2x1
jax: 0.10.2.dev20260603
libtpu: 0.0.44.dev20260713+nightly
codegen_flags: <defaults>
</compile_context>

<pallas_src>
import functools

import jax
import jax.numpy as jnp
import numpy as np
from jax import lax
from jax.experimental import pallas as pl
from jax.experimental.pallas import tpu as pltpu
from jax.experimental.pallas import tpu_sc as plsc

N_U = 5000
N_V = 5000
N = N_U + N_V
E = 320000
D = 128

NC = 2
NS = 16
NW = NC * NS
CHUNK = 128
NCHUNK = 80
HNCHUNK = 160
E_PAD = NW * NCHUNK * CHUNK
N_PAD = 10240
ROWS_PER_TILE = N_PAD // NS
HWIN = 8

_mesh = plsc.VectorSubcoreMesh(core_axis_name="c", subcore_axis_name="s")


@functools.partial(
    pl.kernel,
    out_type=jax.ShapeDtypeStruct((NC, N_PAD), jnp.float32),
    mesh=_mesh,
    scratch_types=[
        pltpu.VMEM((HNCHUNK, CHUNK), jnp.int32),
        pltpu.VMEM((CHUNK,), jnp.float32),
        pltpu.VMEM((ROWS_PER_TILE,), jnp.float32),
        pltpu.VMEM_SHARED((N_PAD,), jnp.float32),
        pltpu.SemaphoreType.DMA,
    ],
)
def _hist_kernel(edges_hbm, out_hbm, idx_v, ones_v, zbuf, hist, sem):
    c = lax.axis_index("c")
    s = lax.axis_index("s")

    for k in range(CHUNK // 16):
        ones_v[pl.ds(k * 16, 16)] = jnp.ones((16,), jnp.float32)

    def _zero_body(i, _):
        zbuf[pl.ds(i * 16, 16)] = jnp.zeros((16,), jnp.float32)
        return 0

    lax.fori_loop(0, ROWS_PER_TILE // 16, _zero_body, 0)
    pltpu.sync_copy(zbuf, hist.at[pl.ds(s * ROWS_PER_TILE, ROWS_PER_TILE)])
    plsc.subcore_barrier()

    pltpu.sync_copy(edges_hbm.at[c, s], idx_v)

    def _wait_one():
        pltpu.make_async_copy(ones_v, hist.at[idx_v.at[0]], sem).wait()

    for j in range(HWIN):
        pltpu.async_copy(ones_v, hist.at[idx_v.at[j]], sem, add=True)

    def _body(j, _):
        _wait_one()
        pltpu.async_copy(ones_v, hist.at[idx_v.at[j]], sem, add=True)
        return 0

    lax.fori_loop(HWIN, HNCHUNK, _body, 0)
    for _ in range(HWIN):
        _wait_one()
    plsc.subcore_barrier()

    pltpu.sync_copy(hist.at[pl.ds(s * ROWS_PER_TILE, ROWS_PER_TILE)], zbuf)
    pltpu.sync_copy(zbuf, out_hbm.at[c, pl.ds(s * ROWS_PER_TILE, ROWS_PER_TILE)])


@functools.partial(
    pl.kernel,
    out_type=jax.ShapeDtypeStruct((NC, N_PAD, D), jnp.float32),
    mesh=_mesh,
    scratch_types=[
        pltpu.VMEM((NCHUNK, CHUNK), jnp.int32),
        pltpu.VMEM((CHUNK,), jnp.int32),
        pltpu.VMEM((CHUNK,), jnp.int32),
        pltpu.VMEM((CHUNK, D), jnp.float32),
        pltpu.VMEM((CHUNK, D), jnp.float32),
        pltpu.VMEM_SHARED((N_PAD, D), jnp.float32),
        pltpu.SemaphoreType.DMA,
        pltpu.SemaphoreType.DMA,
        pltpu.SemaphoreType.DMA,
        pltpu.SemaphoreType.DMA,
    ],
)
def _gather_scatter_kernel(xs_hbm, src_hbm, dst_hbm, out_hbm,
                           src_v, dst0, dst1, rows0, rows1, acc,
                           semg0, semg1, semd0, semd1):
    c = lax.axis_index("c")
    s = lax.axis_index("s")
    wid = c * NS + s
    bufs = (rows0, rows1)
    dsts = (dst0, dst1)
    semg = (semg0, semg1)
    semd = (semd0, semd1)

    def _zero_body(i, _):
        for k in range(D // 16):
            rows0[i, pl.ds(k * 16, 16)] = jnp.zeros((16,), jnp.float32)
        return 0

    lax.fori_loop(0, CHUNK, _zero_body, 0)
    for k in range(ROWS_PER_TILE // CHUNK):
        pltpu.sync_copy(
            rows0, acc.at[pl.ds(s * ROWS_PER_TILE + k * CHUNK, CHUNK)])
    plsc.subcore_barrier()

    pltpu.sync_copy(src_hbm.at[wid], src_v)

    def _wait_and_scatter(jb, b):
        pltpu.make_async_copy(xs_hbm.at[src_v.at[jb]], bufs[b],
                              semg[b]).wait()
        pltpu.make_async_copy(dst_hbm.at[wid, jb], dsts[b], semd[b]).wait()
        pltpu.sync_copy(bufs[b], acc.at[dsts[b]], add=True)

    def _issue(jb, b):
        pltpu.async_copy(xs_hbm.at[src_v.at[jb]], bufs[b], semg[b])
        pltpu.async_copy(dst_hbm.at[wid, jb], dsts[b], semd[b])

    for b in range(2):
        _issue(b, b)

    def _body(j2, _):
        for b in range(2):
            jb = j2 * 2 + b
            _wait_and_scatter(jb, b)
            _issue(jb + 2, b)
        return 0

    lax.fori_loop(0, NCHUNK // 2 - 1, _body, 0)
    for b in range(2):
        _wait_and_scatter(NCHUNK - 2 + b, b)
    plsc.subcore_barrier()

    for k in range(ROWS_PER_TILE // CHUNK):
        base = s * ROWS_PER_TILE + k * CHUNK
        pltpu.sync_copy(acc.at[pl.ds(base, CHUNK)], rows0)
        pltpu.sync_copy(rows0, out_hbm.at[c, pl.ds(base, CHUNK)])


def _scale_body(x_ref, d_ref, pad_ref, o_ref):
    deg = d_ref[...] - pad_ref[...]
    norm = lax.rsqrt(jnp.maximum(deg, 1.0))
    o_ref[...] = x_ref[...] * norm


def _scale_rows(x, d, padind, blk):
    n = x.shape[0]
    return pl.pallas_call(
        _scale_body,
        grid=(n // blk,),
        in_specs=[
            pl.BlockSpec((blk, D), lambda i: (i, 0)),
            pl.BlockSpec((blk, 1), lambda i: (i, 0)),
            pl.BlockSpec((blk, 1), lambda i: (i, 0)),
        ],
        out_specs=pl.BlockSpec((blk, D), lambda i: (i, 0)),
        out_shape=jax.ShapeDtypeStruct((n, D), jnp.float32),
    )(x, d, padind)


def _combine_body(p0_ref, p1_ref, d_ref, o_ref):
    norm = lax.rsqrt(jnp.maximum(d_ref[...], 1.0))
    o_ref[...] = (p0_ref[0] + p1_ref[0]) * norm


def _combine(partials, d, blk):
    return pl.pallas_call(
        _combine_body,
        grid=(N // blk,),
        in_specs=[
            pl.BlockSpec((1, blk, D), lambda i: (0, i, 0)),
            pl.BlockSpec((1, blk, D), lambda i: (1, i, 0)),
            pl.BlockSpec((blk, 1), lambda i: (i, 0)),
        ],
        out_specs=pl.BlockSpec((blk, D), lambda i: (i, 0)),
        out_shape=jax.ShapeDtypeStruct((N, D), jnp.float32),
    )(partials, partials, d)


def kernel(u_f, v_f, edge_index):
    x = jnp.concatenate([u_f, v_f], axis=0)

    npad = E_PAD - E
    pad_src = (13 * np.arange(npad, dtype=np.int64)) % N
    pad_dst = N + (np.arange(npad, dtype=np.int64) % (N_PAD - N))
    pads = jnp.asarray(np.stack([pad_src, pad_dst]).astype(np.int32))
    e_p = jnp.concatenate([edge_index, pads], axis=1)
    hist_view = e_p.reshape(2, NS, HNCHUNK, CHUNK)
    src_p = e_p[0].reshape(NW, NCHUNK, CHUNK)
    dst_p = e_p[1].reshape(NW, NCHUNK, CHUNK)

    padind_np = np.zeros((N, 1), np.float32)
    padind_np[pad_src] = 1.0
    padind = jnp.asarray(padind_np)

    hist = _hist_kernel(hist_view)
    outd = hist[0, :N].reshape(N, 1)
    xs = _scale_rows(x, outd, padind, blk=2000)

    partials = _gather_scatter_kernel(xs, src_p, dst_p)

    ind = hist[1, :N].reshape(N, 1)
    return _combine(partials, ind, blk=5000)

# --- scband reference (transcript-rebuilt; emitter-appended) ---
"""Pipeline reference for scband-gcnlayer-27882927685658 (READ-ONLY COPY).

The authoritative reference and input builder live on the scoring server;
editing this copy changes nothing except your own understanding.
"""

import jax, jax.numpy as jnp
import numpy as np

N_U = 5000
N_V = 5000
N = N_U + N_V
E = 320000
D = 128


def setup_inputs(seed: int = 0) -> dict:
    key = jax.random.key(seed)
    k1, k2, k3 = jax.random.split(key, 3)
    u_f = jax.random.normal(k1, (N_U, D), dtype=jnp.float32)
    v_f = jax.random.normal(k2, (N_V, D), dtype=jnp.float32)
    edge_index = jax.random.randint(k3, (2, E), 0, N, dtype=jnp.int32)
    return {"u_f": u_f, "v_f": v_f, "edge_index": edge_index}


def reference(u_f, v_f, edge_index):
    # node_f = cat([u_f, v_f], dim=0)
    x = jnp.concatenate([u_f, v_f], axis=0)
    src = edge_index[0]
    dst = edge_index[1]
    n = x.shape[0]
    # out-degree normalization: D_out^{-1/2} (clamped to min 1)
    out_deg = jnp.bincount(src, length=n).astype(jnp.float32)
    out_deg = jnp.maximum(out_deg, 1.0)
    out_norm = jnp.power(out_deg, -0.5).reshape(-1, 1)
    x = x * out_norm
    # message: copy_src, reduce: sum over incoming edges
    m = jnp.take(x, src, axis=0)
    rst = jax.ops.segment_sum(m, dst, num_segments=n)
    # in-degree normalization: D_in^{-1/2} (clamped to min 1)
    in_deg = jnp.bincount(dst, length=n).astype(jnp.float32)
    in_deg = jnp.maximum(in_deg, 1.0)
    in_norm = jnp.power(in_deg, -0.5).reshape(-1, 1)
    rst = rst * in_norm
    return rst

if __name__ == "__main__":
    import jax
    _d = setup_inputs()
    print(jax.jit(kernel)(*tuple(_d.values())))

</pallas_src>

<mosaic_0001>
#map = affine_map<(d0, d1) -> (0, 0)>
#map1 = affine_map<(d0, d1) -> (0, 0, 0)>
module attributes {stable_mosaic.version = 14 : i64} {
  func.func @_gather_scatter_kernel(%arg0: i32, %arg1: i32, %arg2: memref<10000x128xf32, #tpu.memory_space<hbm>>, %arg3: memref<32x80x128xi32, #tpu.memory_space<hbm>>, %arg4: memref<32x80x128xi32, #tpu.memory_space<hbm>>, %arg5: memref<2x10240x128xf32, #tpu.memory_space<hbm>>, %arg6: memref<80x128xi32, #tpu.memory_space<vmem>>, %arg7: memref<128xi32, #tpu.memory_space<vmem>>, %arg8: memref<128xi32, #tpu.memory_space<vmem>>, %arg9: memref<128x128xf32, #tpu.memory_space<vmem>>, %arg10: memref<128x128xf32, #tpu.memory_space<vmem>>, %arg11: memref<10240x128xf32, #tpu.memory_space<vmem_shared>>, %arg12: memref<!tpu.dma_semaphore, #tpu.memory_space<semaphore_mem>>, %arg13: memref<!tpu.dma_semaphore, #tpu.memory_space<semaphore_mem>>, %arg14: memref<!tpu.dma_semaphore, #tpu.memory_space<semaphore_mem>>, %arg15: memref<!tpu.dma_semaphore, #tpu.memory_space<semaphore_mem>>) attributes {dimension_semantics = [#tpu.dimension_semantics<core_parallel>, #tpu.dimension_semantics<subcore_parallel>], iteration_bounds = array<i64: 2, 16>, scalar_prefetch = 0 : i64, scratch_operands = 10 : i64, tpu.core_type = #tpu.core_type<sc_vector_subcore>, window_params = [{transform_indices = #map}, {transform_indices = #map1}, {transform_indices = #map1}, {transform_indices = #map1}]} {
    %mul3A = arith.constant 16 : i32
    %mul3A_0 = arith.muli %arg0, %mul3A : i32
    %add3A = arith.addi %mul3A_0, %arg1 : i32
    %scan3A = arith.constant 0 : i32
    %scan3A_1 = arith.constant 0 : i32
    %scan3A_2 = arith.constant 128 : i32
    %scan3A_3 = arith.addi %scan3A_1, %scan3A_2 : i32
    %scan3A_4 = arith.constant 1 : i32
    %scan3A_5 = scf.for %scan3A_109 = %scan3A_1 to %scan3A_3 step %scan3A_4 iter_args(%scan3A_110 = %scan3A) -> (i32)  : i32 {
      %broadcast_in_dim3A = arith.constant 0.000000e+00 : f32
      %broadcast_in_dim3A_111 = vector.broadcast %broadcast_in_dim3A : f32 to vector<16xf32>
      %swap3A = arith.index_cast %scan3A_109 : i32 to index
      %swap3A_112 = arith.constant 0 : index
      %swap3A_113 = tpu.vector_load %arg9[%swap3A, %swap3A_112] {strides = array<i32>} : memref<128x128xf32, #tpu.memory_space<vmem>>, vector<1x16xf32>,
      %swap3A_114 = vector.shape_cast %swap3A_113 : vector<1x16xf32> to vector<16xf32>
      %swap3A_115 = vector.shape_cast %broadcast_in_dim3A_111 : vector<16xf32> to vector<1x16xf32>
      tpu.vector_store %arg9[%swap3A, %swap3A_112], %swap3A_115 {strides = array<i32>} : memref<128x128xf32, #tpu.memory_space<vmem>>, vector<1x16xf32>,
      %broadcast_in_dim3A_116 = arith.constant 0.000000e+00 : f32
      %broadcast_in_dim3A_117 = vector.broadcast %broadcast_in_dim3A_116 : f32 to vector<16xf32>
      %swap3A_118 = arith.index_cast %scan3A_109 : i32 to index
      %swap3A_119 = arith.constant 16 : index
      %swap3A_120 = tpu.vector_load %arg9[%swap3A_118, %swap3A_119] {strides = array<i32>} : memref<128x128xf32, #tpu.memory_space<vmem>>, vector<1x16xf32>,
      %swap3A_121 = vector.shape_cast %swap3A_120 : vector<1x16xf32> to vector<16xf32>
      %swap3A_122 = vector.shape_cast %broadcast_in_dim3A_117 : vector<16xf32> to vector<1x16xf32>
      tpu.vector_store %arg9[%swap3A_118, %swap3A_119], %swap3A_122 {strides = array<i32>} : memref<128x128xf32, #tpu.memory_space<vmem>>, vector<1x16xf32>,
      %broadcast_in_dim3A_123 = arith.constant 0.000000e+00 : f32
      %broadcast_in_dim3A_124 = vector.broadcast %broadcast_in_dim3A_123 : f32 to vector<16xf32>
      %swap3A_125 = arith.index_cast %scan3A_109 : i32 to index
      %swap3A_126 = arith.constant 32 : index
      %swap3A_127 = tpu.vector_load %arg9[%swap3A_125, %swap3A_126] {strides = array<i32>} : memref<128x128xf32, #tpu.memory_space<vmem>>, vector<1x16xf32>,
      %swap3A_128 = vector.shape_cast %swap3A_127 : vector<1x16xf32> to vector<16xf32>
      %swap3A_129 = vector.shape_cast %broadcast_in_dim3A_124 : vector<16xf32> to vector<1x16xf32>
      tpu.vector_store %arg9[%swap3A_125, %swap3A_126], %swap3A_129 {strides = array<i32>} : memref<128x128xf32, #tpu.memory_space<vmem>>, vector<1x16xf32>,
      %broadcast_in_dim3A_130 = arith.constant 0.000000e+00 : f32
      %broadcast_in_dim3A_131 = vector.broadcast %broadcast_in_dim3A_130 : f32 to vector<16xf32>
      %swap3A_132 = arith.index_cast %scan3A_109 : i32 to index
      %swap3A_133 = arith.constant 48 : index
      %swap3A_134 = tpu.vector_load %arg9[%swap3A_132, %swap3A_133] {strides = array<i32>} : memref<128x128xf32, #tpu.memory_space<vmem>>, vector<1x16xf32>,
      %swap3A_135 = vector.shape_cast %swap3A_134 : vector<1x16xf32> to vector<16xf32>
      %swap3A_136 = vector.shape_cast %broadcast_in_dim3A_131 : vector<16xf32> to vector<1x16xf32>
      tpu.vector_store %arg9[%swap3A_132, %swap3A_133], %swap3A_136 {strides = array<i32>} : memref<128x128xf32, #tpu.memory_space<vmem>>, vector<1x16xf32>,
      %broadcast_in_dim3A_137 = arith.constant 0.000000e+00 : f32
      %broadcast_in_dim3A_138 = vector.broadcast %broadcast_in_dim3A_137 : f32 to vector<16xf32>
      %swap3A_139 = arith.index_cast %scan3A_109 : i32 to index
      %swap3A_140 = arith.constant 64 : index
      %swap3A_141 = tpu.vector_load %arg9[%swap3A_139, %swap3A_140] {strides = array<i32>} : memref<128x128xf32, #tpu.memory_space<vmem>>, vector<1x16xf32>,
      %swap3A_142 = vector.shape_cast %swap3A_141 : vector<1x16xf32> to vector<16xf32>
      %swap3A_143 = vector.shape_cast %broadcast_in_dim3A_138 : vector<16xf32> to vector<1x16xf32>
      tpu.vector_store %arg9[%swap3A_139, %swap3A_140], %swap3A_143 {strides = array<i32>} : memref<128x128xf32, #tpu.memory_space<vmem>>, vector<1x16xf32>,
      %broadcast_in_dim3A_144 = arith.constant 0.000000e+00 : f32
      %broadcast_in_dim3A_145 = vector.broadcast %broadcast_in_dim3A_144 : f32 to vector<16xf32>
      %swap3A_146 = arith.index_cast %scan3A_109 : i32 to index
      %swap3A_147 = arith.constant 80 : index
      %swap3A_148 = tpu.vector_load %arg9[%swap3A_146, %swap3A_147] {strides = array<i32>} : memref<128x128xf32, #tpu.memory_space<vmem>>, vector<1x16xf32>,
      %swap3A_149 = vector.shape_cast %swap3A_148 : vector<1x16xf32> to vector<16xf32>
      %swap3A_150 = vector.shape_cast %broadcast_in_dim3A_145 : vector<16xf32> to vector<1x16xf32>
      tpu.vector_store %arg9[%swap3A_146, %swap3A_147], %swap3A_150 {strides = array<i32>} : memref<128x128xf32, #tpu.memory_space<vmem>>, vector<1x16xf32>,
      %broadcast_in_dim3A_151 = arith.constant 0.000000e+00 : f32
      %broadcast_in_dim3A_152 = vector.broadcast %broadcast_in_dim3A_151 : f32 to vector<16xf32>
      %swap3A_153 = arith.index_cast %scan3A_109 : i32 to index
      %swap3A_154 = arith.constant 96 : index
      %swap3A_155 = tpu.vector_load %arg9[%swap3A_153, %swap3A_154] {strides = array<i32>} : memref<128x128xf32, #tpu.memory_space<vmem>>, vector<1x16xf32>,
      %swap3A_156 = vector.shape_cast %swap3A_155 : vector<1x16xf32> to vector<16xf32>
      %swap3A_157 = vector.shape_cast %broadcast_in_dim3A_152 : vector<16xf32> to vector<1x16xf32>
      tpu.vector_store %arg9[%swap3A_153, %swap3A_154], %swap3A_157 {strides = array<i32>} : memref<128x128xf32, #tpu.memory_space<vmem>>, vector<1x16xf32>,
      %broadcast_in_dim3A_158 = arith.constant 0.000000e+00 : f32
      %broadcast_in_dim3A_159 = vector.broadcast %broadcast_in_dim3A_158 : f32 to vector<16xf32>
      %swap3A_160 = arith.index_cast %scan3A_109 : i32 to index
      %swap3A_161 = arith.constant 112 : index
      %swap3A_162 = tpu.vector_load %arg9[%swap3A_160, %swap3A_161] {strides = array<i32>} : memref<128x128xf32, #tpu.memory_space<vmem>>, vector<1x16xf32>,
      %swap3A_163 = vector.shape_cast %swap3A_162 : vector<1x16xf32> to vector<16xf32>
      %swap3A_164 = vector.shape_cast %broadcast_in_dim3A_159 : vector<16xf32> to vector<1x16xf32>
      tpu.vector_store %arg9[%swap3A_160, %swap3A_161], %swap3A_164 {strides = array<i32>} : memref<128x128xf32, #tpu.memory_space<vmem>>, vector<1x16xf32>,
      %scan3A_165 = arith.constant 0 : i32
      scf.yield %scan3A_165 : i32
    }
    %scan3A_6 = arith.constant 128 : i32
    %mul3A_7 = arith.constant 640 : i32
    %mul3A_8 = arith.muli %arg1, %mul3A_7 : i32
    %add3A_9 = arith.constant 0 : i32
    %add3A_10 = arith.addi %mul3A_8, %add3A_9 : i32
    "tpu.region"() ({
      %run_scoped3A = tpu.sem_alloc : memref<!tpu.dma_semaphore, #tpu.memory_space<semaphore_mem>>
      %dma_start3A_109 = arith.constant 0 : i32
      %dma_start3A_110 = tpu.memref_slice %arg11[%add3A_10, %dma_start3A_109] : memref<10240x128xf32, #tpu.memory_space<vmem_shared>> -> memref<128x128xf32, #tpu.memory_space<vmem_shared>>
      %dma_start3A_111 = arith.constant 0 : i32
      %dma_start3A_112 = tpu.memref_slice %arg11[%add3A_10, %dma_start3A_111] : memref<10240x128xf32, #tpu.memory_space<vmem_shared>> -> memref<128x128xf32, #tpu.memory_space<vmem_shared>>
      tpu.enqueue_dma source(%arg9 : memref<128x128xf32, #tpu.memory_space<vmem>>) target(%dma_start3A_112 : memref<128x128xf32, #tpu.memory_space<vmem_shared>>) target_semaphore(%run_scoped3A : memref<!tpu.dma_semaphore, #tpu.memory_space<semaphore_mem>>)
      %dma_wait3A_113 = arith.constant 0 : i32
      %dma_wait3A_114 = tpu.memref_slice %arg11[%add3A_10, %dma_wait3A_113] : memref<10240x128xf32, #tpu.memory_space<vmem_shared>> -> memref<128x128xf32, #tpu.memory_space<vmem_shared>>
      %dma_wait3A_115 = arith.constant 0 : i32
      %dma_wait3A_116 = tpu.memref_slice %arg11[%add3A_10, %dma_wait3A_115] : memref<10240x128xf32, #tpu.memory_space<vmem_shared>> -> memref<128x128xf32, #tpu.memory_space<vmem_shared>>
      tpu.wait_dma2 semaphore(%run_scoped3A : memref<!tpu.dma_semaphore, #tpu.memory_space<semaphore_mem>>) src(%arg9 : memref<128x128xf32, #tpu.memory_space<vmem>>) dst(%dma_wait3A_116 : memref<128x128xf32, #tpu.memory_space<vmem_shared>>)
      tpu.yield
    }) : () -> ()
    %mul3A_11 = arith.constant 640 : i32
    %mul3A_12 = arith.muli %arg1, %mul3A_11 : i32
    %add3A_13 = arith.constant 128 : i32
    %add3A_14 = arith.addi %mul3A_12, %add3A_13 : i32
    "tpu.region"() ({
      %run_scoped3A = tpu.sem_alloc : memref<!tpu.dma_semaphore, #tpu.memory_space<semaphore_mem>>
      %dma_start3A_109 = arith.constant 0 : i32
      %dma_start3A_110 = tpu.memref_slice %arg11[%add3A_14, %dma_start3A_109] : memref<10240x128xf32, #tpu.memory_space<vmem_shared>> -> memref<128x128xf32, #tpu.memory_space<vmem_shared>>
      %dma_start3A_111 = arith.constant 0 : i32
      %dma_start3A_112 = tpu.memref_slice %arg11[%add3A_14, %dma_start3A_111] : memref<10240x128xf32, #tpu.memory_space<vmem_shared>> -> memref<128x128xf32, #tpu.memory_space<vmem_shared>>
      tpu.enqueue_dma source(%arg9 : memref<128x128xf32, #tpu.memory_space<vmem>>) target(%dma_start3A_112 : memref<128x128xf32, #tpu.memory_space<vmem_shared>>) target_semaphore(%run_scoped3A : memref<!tpu.dma_semaphore, #tpu.memory_space<semaphore_mem>>)
      %dma_wait3A_113 = arith.constant 0 : i32
      %dma_wait3A_114 = tpu.memref_slice %arg11[%add3A_14, %dma_wait3A_113] : memref<10240x128xf32, #tpu.memory_space<vmem_shared>> -> memref<128x128xf32, #tpu.memory_space<vmem_shared>>
      %dma_wait3A_115 = arith.constant 0 : i32
      %dma_wait3A_116 = tpu.memref_slice %arg11[%add3A_14, %dma_wait3A_115] : memref<10240x128xf32, #tpu.memory_space<vmem_shared>> -> memref<128x128xf32, #tpu.memory_space<vmem_shared>>
      tpu.wait_dma2 semaphore(%run_scoped3A : memref<!tpu.dma_semaphore, #tpu.memory_space<semaphore_mem>>) src(%arg9 : memref<128x128xf32, #tpu.memory_space<vmem>>) dst(%dma_wait3A_116 : memref<128x128xf32, #tpu.memory_space<vmem_shared>>)
      tpu.yield
    }) : () -> ()
    %mul3A_15 = arith.constant 640 : i32
    %mul3A_16 = arith.muli %arg1, %mul3A_15 : i32
    %add3A_17 = arith.constant 256 : i32
    %add3A_18 = arith.addi %mul3A_16, %add3A_17 : i32
    "tpu.region"() ({
      %run_scoped3A = tpu.sem_alloc : memref<!tpu.dma_semaphore, #tpu.memory_space<semaphore_mem>>
      %dma_start3A_109 = arith.constant 0 : i32
      %dma_start3A_110 = tpu.memref_slice %arg11[%add3A_18, %dma_start3A_109] : memref<10240x128xf32, #tpu.memory_space<vmem_shared>> -> memref<128x128xf32, #tpu.memory_space<vmem_shared>>
      %dma_start3A_111 = arith.constant 0 : i32
      %dma_start3A_112 = tpu.memref_slice %arg11[%add3A_18, %dma_start3A_111] : memref<10240x128xf32, #tpu.memory_space<vmem_shared>> -> memref<128x128xf32, #tpu.memory_space<vmem_shared>>
      tpu.enqueue_dma source(%arg9 : memref<128x128xf32, #tpu.memory_space<vmem>>) target(%dma_start3A_112 : memref<128x128xf32, #tpu.memory_space<vmem_shared>>) target_semaphore(%run_scoped3A : memref<!tpu.dma_semaphore, #tpu.memory_space<semaphore_mem>>)
      %dma_wait3A_113 = arith.constant 0 : i32
      %dma_wait3A_114 = tpu.memref_slice %arg11[%add3A_18, %dma_wait3A_113] : memref<10240x128xf32, #tpu.memory_space<vmem_shared>> -> memref<128x128xf32, #tpu.memory_space<vmem_shared>>
      %dma_wait3A_115 = arith.constant 0 : i32
      %dma_wait3A_116 = tpu.memref_slice %arg11[%add3A_18, %dma_wait3A_115] : memref<10240x128xf32, #tpu.memory_space<vmem_shared>> -> memref<128x128xf32, #tpu.memory_space<vmem_shared>>
      tpu.wait_dma2 semaphore(%run_scoped3A : memref<!tpu.dma_semaphore, #tpu.memory_space<semaphore_mem>>) src(%arg9 : memref<128x128xf32, #tpu.memory_space<vmem>>) dst(%dma_wait3A_116 : memref<128x128xf32, #tpu.memory_space<vmem_shared>>)
      tpu.yield
    }) : () -> ()
    %mul3A_19 = arith.constant 640 : i32
    %mul3A_20 = arith.muli %arg1, %mul3A_19 : i32
    %add3A_21 = arith.constant 384 : i32
    %add3A_22 = arith.addi %mul3A_20, %add3A_21 : i32
    "tpu.region"() ({
      %run_scoped3A = tpu.sem_alloc : memref<!tpu.dma_semaphore, #tpu.memory_space<semaphore_mem>>
      %dma_start3A_109 = arith.constant 0 : i32
      %dma_start3A_110 = tpu.memref_slice %arg11[%add3A_22, %dma_start3A_109] : memref<10240x128xf32, #tpu.memory_space<vmem_shared>> -> memref<128x128xf32, #tpu.memory_space<vmem_shared>>
      %dma_start3A_111 = arith.constant 0 : i32
      %dma_start3A_112 = tpu.memref_slice %arg11[%add3A_22, %dma_start3A_111] : memref<10240x128xf32, #tpu.memory_space<vmem_shared>> -> memref<128x128xf32, #tpu.memory_space<vmem_shared>>
      tpu.enqueue_dma source(%arg9 : memref<128x128xf32, #tpu.memory_space<vmem>>) target(%dma_start3A_112 : memref<128x128xf32, #tpu.memory_space<vmem_shared>>) target_semaphore(%run_scoped3A : memref<!tpu.dma_semaphore, #tpu.memory_space<semaphore_mem>>)
      %dma_wait3A_113 = arith.constant 0 : i32
      %dma_wait3A_114 = tpu.memref_slice %arg11[%add3A_22, %dma_wait3A_113] : memref<10240x128xf32, #tpu.memory_space<vmem_shared>> -> memref<128x128xf32, #tpu.memory_space<vmem_shared>>
      %dma_wait3A_115 = arith.constant 0 : i32
      %dma_wait3A_116 = tpu.memref_slice %arg11[%add3A_22, %dma_wait3A_115] : memref<10240x128xf32, #tpu.memory_space<vmem_shared>> -> memref<128x128xf32, #tpu.memory_space<vmem_shared>>
      tpu.wait_dma2 semaphore(%run_scoped3A : memref<!tpu.dma_semaphore, #tpu.memory_space<semaphore_mem>>) src(%arg9 : memref<128x128xf32, #tpu.memory_space<vmem>>) dst(%dma_wait3A_116 : memref<128x128xf32, #tpu.memory_space<vmem_shared>>)
      tpu.yield
    }) : () -> ()
    %mul3A_23 = arith.constant 640 : i32
    %mul3A_24 = arith.muli %arg1, %mul3A_23 : i32
    %add3A_25 = arith.constant 512 : i32
    %add3A_26 = arith.addi %mul3A_24, %add3A_25 : i32
    "tpu.region"() ({
      %run_scoped3A = tpu.sem_alloc : memref<!tpu.dma_semaphore, #tpu.memory_space<semaphore_mem>>
      %dma_start3A_109 = arith.constant 0 : i32
      %dma_start3A_110 = tpu.memref_slice %arg11[%add3A_26, %dma_start3A_109] : memref<10240x128xf32, #tpu.memory_space<vmem_shared>> -> memref<128x128xf32, #tpu.memory_space<vmem_shared>>
      %dma_start3A_111 = arith.constant 0 : i32
      %dma_start3A_112 = tpu.memref_slice %arg11[%add3A_26, %dma_start3A_111] : memref<10240x128xf32, #tpu.memory_space<vmem_shared>> -> memref<128x128xf32, #tpu.memory_space<vmem_shared>>
      tpu.enqueue_dma source(%arg9 : memref<128x128xf32, #tpu.memory_space<vmem>>) target(%dma_start3A_112 : memref<128x128xf32, #tpu.memory_space<vmem_shared>>) target_semaphore(%run_scoped3A : memref<!tpu.dma_semaphore, #tpu.memory_space<semaphore_mem>>)
      %dma_wait3A_113 = arith.constant 0 : i32
      %dma_wait3A_114 = tpu.memref_slice %arg11[%add3A_26, %dma_wait3A_113] : memref<10240x128xf32, #tpu.memory_space<vmem_shared>> -> memref<128x128xf32, #tpu.memory_space<vmem_shared>>
      %dma_wait3A_115 = arith.constant 0 : i32
      %dma_wait3A_116 = tpu.memref_slice %arg11[%add3A_26, %dma_wait3A_115] : memref<10240x128xf32, #tpu.memory_space<vmem_shared>> -> memref<128x128xf32, #tpu.memory_space<vmem_shared>>
      tpu.wait_dma2 semaphore(%run_scoped3A : memref<!tpu.dma_semaphore, #tpu.memory_space<semaphore_mem>>) src(%arg9 : memref<128x128xf32, #tpu.memory_space<vmem>>) dst(%dma_wait3A_116 : memref<128x128xf32, #tpu.memory_space<vmem_shared>>)
      tpu.yield
    }) : () -> ()
    %barrier3A = arith.constant 0 : index
    tpu.barrier barrier_id(%barrier3A)
    "tpu.region"() ({
      %run_scoped3A = tpu.sem_alloc : memref<!tpu.dma_semaphore, #tpu.memory_space<semaphore_mem>>
      %dma_start3A_109 = arith.constant 0 : i32
      %dma_start3A_110 = arith.constant 0 : i32
      %dma_start3A_111 = tpu.memref_slice %arg3[%add3A, %dma_start3A_109, %dma_start3A_110] : memref<32x80x128xi32, #tpu.memory_space<hbm>> -> memref<1x80x128xi32, #tpu.memory_space<hbm>>
      %dma_start3A_112 = tpu.memref_squeeze %dma_start3A_111 : memref<1x80x128xi32, #tpu.memory_space<hbm>> -> memref<80x128xi32, #tpu.memory_space<hbm>>
      %dma_start3A_113 = arith.constant 0 : i32
      %dma_start3A_114 = arith.constant 0 : i32
      %dma_start3A_115 = tpu.memref_slice %arg3[%add3A, %dma_start3A_113, %dma_start3A_114] : memref<32x80x128xi32, #tpu.memory_space<hbm>> -> memref<1x80x128xi32, #tpu.memory_space<hbm>>
      %dma_start3A_116 = tpu.memref_squeeze %dma_start3A_115 : memref<1x80x128xi32, #tpu.memory_space<hbm>> -> memref<80x128xi32, #tpu.memory_space<hbm>>
      tpu.enqueue_dma source(%dma_start3A_116 : memref<80x128xi32, #tpu.memory_space<hbm>>) target(%arg6 : memref<80x128xi32, #tpu.memory_space<vmem>>) target_semaphore(%run_scoped3A : memref<!tpu.dma_semaphore, #tpu.memory_space<semaphore_mem>>)
      %dma_wait3A_117 = arith.constant 0 : i32
      %dma_wait3A_118 = arith.constant 0 : i32
      %dma_wait3A_119 = tpu.memref_slice %arg3[%add3A, %dma_wait3A_117, %dma_wait3A_118] : memref<32x80x128xi32, #tpu.memory_space<hbm>> -> memref<1x80x128xi32, #tpu.memory_space<hbm>>
      %dma_wait3A_120 = tpu.memref_squeeze %dma_wait3A_119 : memref<1x80x128xi32, #tpu.memory_space<hbm>> -> memref<80x128xi32, #tpu.memory_space<hbm>>
      %dma_wait3A_121 = arith.constant 0 : i32
      %dma_wait3A_122 = arith.constant 0 : i32
      %dma_wait3A_123 = tpu.memref_slice %arg3[%add3A, %dma_wait3A_121, %dma_wait3A_122] : memref<32x80x128xi32, #tpu.memory_space<hbm>> -> memref<1x80x128xi32, #tpu.memory_space<hbm>>
      %dma_wait3A_124 = tpu.memref_squeeze %dma_wait3A_123 : memref<1x80x128xi32, #tpu.memory_space<hbm>> -> memref<80x128xi32, #tpu.memory_space<hbm>>
      tpu.wait_dma2 semaphore(%run_scoped3A : memref<!tpu.dma_semaphore, #tpu.memory_space<semaphore_mem>>) src(%dma_wait3A_124 : memref<80x128xi32, #tpu.memory_space<hbm>>) dst(%arg6 : memref<80x128xi32, #tpu.memory_space<vmem>>)
      tpu.yield
    }) : () -> ()
    %dma_start3A = arith.constant 0 : i32
    %dma_start3A_27 = arith.constant 0 : i32
    %dma_start3A_28 = tpu.memref_slice %arg6[%dma_start3A, %dma_start3A_27] : memref<80x128xi32, #tpu.memory_space<vmem>> -> memref<1x128xi32, #tpu.memory_space<vmem>>
    %dma_start3A_29 = tpu.memref_squeeze %dma_start3A_28 : memref<1x128xi32, #tpu.memory_space<vmem>> -> memref<128xi32, #tpu.memory_space<vmem>>
    %dma_start3A_30 = arith.constant 0 : i32
    %dma_start3A_31 = arith.constant 0 : i32
    %dma_start3A_32 = tpu.memref_slice %arg2[%dma_start3A_30, %dma_start3A_31] : memref<10000x128xf32, #tpu.memory_space<hbm>> -> memref<10000x128xf32, #tpu.memory_space<hbm>>
    tpu.enqueue_indirect_dma source(%dma_start3A_32 : memref<10000x128xf32, #tpu.memory_space<hbm>>) target(%arg9 : memref<128x128xf32, #tpu.memory_space<vmem>>) offsets(%dma_start3A_29 : memref<128xi32, #tpu.memory_space<vmem>>) semaphore(%arg12 : memref<!tpu.dma_semaphore, #tpu.memory_space<semaphore_mem>>)
    %dma_start3A_33 = arith.constant 0 : i32
    %dma_start3A_34 = arith.constant 0 : i32
    %dma_start3A_35 = tpu.memref_slice %arg4[%add3A, %dma_start3A_33, %dma_start3A_34] : memref<32x80x128xi32, #tpu.memory_space<hbm>> -> memref<1x1x128xi32, #tpu.memory_space<hbm>>
    %dma_start3A_36 = tpu.memref_squeeze %dma_start3A_35 : memref<1x1x128xi32, #tpu.memory_space<hbm>> -> memref<128xi32, #tpu.memory_space<hbm>>
    %dma_start3A_37 = arith.constant 0 : i32
    %dma_start3A_38 = tpu.memref_slice %arg4[%add3A, %dma_start3A_33, %dma_start3A_37] : memref<32x80x128xi32, #tpu.memory_space<hbm>> -> memref<1x1x128xi32, #tpu.memory_space<hbm>>
    %dma_start3A_39 = tpu.memref_squeeze %dma_start3A_38 : memref<1x1x128xi32, #tpu.memory_space<hbm>> -> memref<128xi32, #tpu.memory_space<hbm>>
    tpu.enqueue_dma source(%dma_start3A_39 : memref<128xi32, #tpu.memory_space<hbm>>) target(%arg7 : memref<128xi32, #tpu.memory_space<vmem>>) target_semaphore(%arg14 : memref<!tpu.dma_semaphore, #tpu.memory_space<semaphore_mem>>)
    %dma_start3A_40 = arith.constant 1 : i32
    %dma_start3A_41 = arith.constant 0 : i32
    %dma_start3A_42 = tpu.memref_slice %arg6[%dma_start3A_40, %dma_start3A_41] : memref<80x128xi32, #tpu.memory_space<vmem>> -> memref<1x128xi32, #tpu.memory_space<vmem>>
    %dma_start3A_43 = tpu.memref_squeeze %dma_start3A_42 : memref<1x128xi32, #tpu.memory_space<vmem>> -> memref<128xi32, #tpu.memory_space<vmem>>
    %dma_start3A_44 = arith.constant 0 : i32
    %dma_start3A_45 = arith.constant 0 : i32
    %dma_start3A_46 = tpu.memref_slice %arg2[%dma_start3A_44, %dma_start3A_45] : memref<10000x128xf32, #tpu.memory_space<hbm>> -> memref<10000x128xf32, #tpu.memory_space<hbm>>
    tpu.enqueue_indirect_dma source(%dma_start3A_46 : memref<10000x128xf32, #tpu.memory_space<hbm>>) target(%arg10 : memref<128x128xf32, #tpu.memory_space<vmem>>) offsets(%dma_start3A_43 : memref<128xi32, #tpu.memory_space<vmem>>) semaphore(%arg13 : memref<!tpu.dma_semaphore, #tpu.memory_space<semaphore_mem>>)
    %dma_start3A_47 = arith.constant 1 : i32
    %dma_start3A_48 = arith.constant 0 : i32
    %dma_start3A_49 = tpu.memref_slice %arg4[%add3A, %dma_start3A_47, %dma_start3A_48] : memref<32x80x128xi32, #tpu.memory_space<hbm>> -> memref<1x1x128xi32, #tpu.memory_space<hbm>>
    %dma_start3A_50 = tpu.memref_squeeze %dma_start3A_49 : memref<1x1x128xi32, #tpu.memory_space<hbm>> -> memref<128xi32, #tpu.memory_space<hbm>>
    %dma_start3A_51 = arith.constant 0 : i32
    %dma_start3A_52 = tpu.memref_slice %arg4[%add3A, %dma_start3A_47, %dma_start3A_51] : memref<32x80x128xi32, #tpu.memory_space<hbm>> -> memref<1x1x128xi32, #tpu.memory_space<hbm>>
    %dma_start3A_53 = tpu.memref_squeeze %dma_start3A_52 : memref<1x1x128xi32, #tpu.memory_space<hbm>> -> memref<128xi32, #tpu.memory_space<hbm>>
    tpu.enqueue_dma source(%dma_start3A_53 : memref<128xi32, #tpu.memory_space<hbm>>) target(%arg8 : memref<128xi32, #tpu.memory_space<vmem>>) target_semaphore(%arg15 : memref<!tpu.dma_semaphore, #tpu.memory_space<semaphore_mem>>)
    %scan3A_54 = arith.constant 0 : i32
    %scan3A_55 = arith.constant 0 : i32
    %scan3A_56 = arith.constant 39 : i32
    %scan3A_57 = arith.addi %scan3A_55, %scan3A_56 : i32
    %scan3A_58 = arith.constant 1 : i32
    %scan3A_59 = scf.for %scan3A_109 = %scan3A_55 to %scan3A_57 step %scan3A_58 iter_args(%scan3A_110 = %scan3A_54) -> (i32)  : i32 {
      %mul3A_111 = arith.constant 2 : i32
      %mul3A_112 = arith.muli %scan3A_109, %mul3A_111 : i32
      %add3A_113 = arith.constant 0 : i32
      %add3A_114 = arith.addi %mul3A_112, %add3A_113 : i32
      %dma_wait3A_115 = arith.constant 0 : i32
      %dma_wait3A_116 = tpu.memref_slice %arg6[%add3A_114, %dma_wait3A_115] : memref<80x128xi32, #tpu.memory_space<vmem>> -> memref<1x128xi32, #tpu.memory_space<vmem>>
      %dma_wait3A_117 = tpu.memref_squeeze %dma_wait3A_116 : memref<1x128xi32, #tpu.memory_space<vmem>> -> memref<128xi32, #tpu.memory_space<vmem>>
      %dma_wait3A_118 = arith.constant 0 : i32
      %dma_wait3A_119 = arith.constant 0 : i32
      %dma_wait3A_120 = tpu.memref_slice %arg2[%dma_wait3A_118, %dma_wait3A_119] : memref<10000x128xf32, #tpu.memory_space<hbm>> -> memref<10000x128xf32, #tpu.memory_space<hbm>>
      tpu.wait_indirect_dma semaphore(%arg12 : memref<!tpu.dma_semaphore, #tpu.memory_space<semaphore_mem>>) src(%dma_wait3A_120 : memref<10000x128xf32, #tpu.memory_space<hbm>>) dst(%arg9 : memref<128x128xf32, #tpu.memory_space<vmem>>)
      %dma_wait3A_121 = arith.constant 0 : i32
      %dma_wait3A_122 = tpu.memref_slice %arg4[%add3A, %add3A_114, %dma_wait3A_121] : memref<32x80x128xi32, #tpu.memory_space<hbm>> -> memref<1x1x128xi32, #tpu.memory_space<hbm>>
      %dma_wait3A_123 = tpu.memref_squeeze %dma_wait3A_122 : memref<1x1x128xi32, #tpu.memory_space<hbm>> -> memref<128xi32, #tpu.memory_space<hbm>>
      %dma_wait3A_124 = arith.constant 0 : i32
      %dma_wait3A_125 = tpu.memref_slice %arg4[%add3A, %add3A_114, %dma_wait3A_124] : memref<32x80x128xi32, #tpu.memory_space<hbm>> -> memref<1x1x128xi32, #tpu.memory_space<hbm>>
      %dma_wait3A_126 = tpu.memref_squeeze %dma_wait3A_125 : memref<1x1x128xi32, #tpu.memory_space<hbm>> -> memref<128xi32, #tpu.memory_space<hbm>>
      tpu.wait_dma2 semaphore(%arg14 : memref<!tpu.dma_semaphore, #tpu.memory_space<semaphore_mem>>) src(%dma_wait3A_126 : memref<128xi32, #tpu.memory_space<hbm>>) dst(%arg7 : memref<128xi32, #tpu.memory_space<vmem>>)
      "tpu.region"() ({
        %run_scoped3A = tpu.sem_alloc : memref<!tpu.dma_semaphore, #tpu.memory_space<semaphore_mem>>
        %dma_start3A_172 = arith.constant 0 : i32
        %dma_start3A_173 = arith.constant 0 : i32
        %dma_start3A_174 = tpu.memref_slice %arg11[%dma_start3A_172, %dma_start3A_173] : memref<10240x128xf32, #tpu.memory_space<vmem_shared>> -> memref<10240x128xf32, #tpu.memory_space<vmem_shared>>
        tpu.enqueue_indirect_dma source(%arg9 : memref<128x128xf32, #tpu.memory_space<vmem>>) target(%dma_start3A_174 : memref<10240x128xf32, #tpu.memory_space<vmem_shared>>) offsets(%arg7 : memref<128xi32, #tpu.memory_space<vmem>>) semaphore(%run_scoped3A : memref<!tpu.dma_semaphore, #tpu.memory_space<semaphore_mem>>) {add = true}
        %dma_wait3A_175 = arith.constant 0 : i32
        %dma_wait3A_176 = arith.constant 0 : i32
        %dma_wait3A_177 = tpu.memref_slice %arg11[%dma_wait3A_175, %dma_wait3A_176] : memref<10240x128xf32, #tpu.memory_space<vmem_shared>> -> memref<10240x128xf32, #tpu.memory_space<vmem_shared>>
        tpu.wait_indirect_dma semaphore(%run_scoped3A : memref<!tpu.dma_semaphore, #tpu.memory_space<semaphore_mem>>) src(%arg9 : memref<128x128xf32, #tpu.memory_space<vmem>>) dst(%dma_wait3A_177 : memref<10240x128xf32, #tpu.memory_space<vmem_shared>>)
        tpu.yield
      }) : () -> ()
      %add3A_127 = arith.constant 2 : i32
      %add3A_128 = arith.addi %add3A_114, %add3A_127 : i32
      %dma_start3A_129 = arith.constant 0 : i32
      %dma_start3A_130 = tpu.memref_slice %arg6[%add3A_128, %dma_start3A_129] : memref<80x128xi32, #tpu.memory_space<vmem>> -> memref<1x128xi32, #tpu.memory_space<vmem>>
      %dma_start3A_131 = tpu.memref_squeeze %dma_start3A_130 : memref<1x128xi32, #tpu.memory_space<vmem>> -> memref<128xi32, #tpu.memory_space<vmem>>
      %dma_start3A_132 = arith.constant 0 : i32
      %dma_start3A_133 = arith.constant 0 : i32
      %dma_start3A_134 = tpu.memref_slice %arg2[%dma_start3A_132, %dma_start3A_133] : memref<10000x128xf32, #tpu.memory_space<hbm>> -> memref<10000x128xf32, #tpu.memory_space<hbm>>
      tpu.enqueue_indirect_dma source(%dma_start3A_134 : memref<10000x128xf32, #tpu.memory_space<hbm>>) target(%arg9 : memref<128x128xf32, #tpu.memory_space<vmem>>) offsets(%dma_start3A_131 : memref<128xi32, #tpu.memory_space<vmem>>) semaphore(%arg12 : memref<!tpu.dma_semaphore, #tpu.memory_space<semaphore_mem>>)
      %dma_start3A_135 = arith.constant 0 : i32
      %dma_start3A_136 = tpu.memref_slice %arg4[%add3A, %add3A_128, %dma_start3A_135] : memref<32x80x128xi32, #tpu.memory_space<hbm>> -> memref<1x1x128xi32, #tpu.memory_space<hbm>>
      %dma_start3A_137 = tpu.memref_squeeze %dma_start3A_136 : memref<1x1x128xi32, #tpu.memory_space<hbm>> -> memref<128xi32, #tpu.memory_space<hbm>>
      %dma_start3A_138 = arith.constant 0 : i32
      %dma_start3A_139 = tpu.memref_slice %arg4[%add3A, %add3A_128, %dma_start3A_138] : memref<32x80x128xi32, #tpu.memory_space<hbm>> -> memref<1x1x128xi32, #tpu.memory_space<hbm>>
      %dma_start3A_140 = tpu.memref_squeeze %dma_start3A_139 : memref<1x1x128xi32, #tpu.memory_space<hbm>> -> memref<128xi32, #tpu.memory_space<hbm>>
      tpu.enqueue_dma source(%dma_start3A_140 : memref<128xi32, #tpu.memory_space<hbm>>) target(%arg7 : memref<128xi32, #tpu.memory_space<vmem>>) target_semaphore(%arg14 : memref<!tpu.dma_semaphore, #tpu.memory_space<semaphore_mem>>)
      %mul3A_141 = arith.constant 2 : i32
      %mul3A_142 = arith.muli %scan3A_109, %mul3A_141 : i32
      %add3A_143 = arith.constant 1 : i32
      %add3A_144 = arith.addi %mul3A_142, %add3A_143 : i32
      %dma_wait3A_145 = arith.constant 0 : i32
      %dma_wait3A_146 = tpu.memref_slice %arg6[%add3A_144, %dma_wait3A_145] : memref<80x128xi32, #tpu.memory_space<vmem>> -> memref<1x128xi32, #tpu.memory_space<vmem>>
      %dma_wait3A_147 = tpu.memref_squeeze %dma_wait3A_146 : memref<1x128xi32, #tpu.memory_space<vmem>> -> memref<128xi32, #tpu.memory_space<vmem>>
      %dma_wait3A_148 = arith.constant 0 : i32
      %dma_wait3A_149 = arith.constant 0 : i32
      %dma_wait3A_150 = tpu.memref_slice %arg2[%dma_wait3A_148, %dma_wait3A_149] : memref<10000x128xf32, #tpu.memory_space<hbm>> -> memref<10000x128xf32, #tpu.memory_space<hbm>>
      tpu.wait_indirect_dma semaphore(%arg13 : memref<!tpu.dma_semaphore, #tpu.memory_space<semaphore_mem>>) src(%dma_wait3A_150 : memref<10000x128xf32, #tpu.memory_space<hbm>>) dst(%arg10 : memref<128x128xf32, #tpu.memory_space<vmem>>)
      %dma_wait3A_151 = arith.constant 0 : i32
      %dma_wait3A_152 = tpu.memref_slice %arg4[%add3A, %add3A_144, %dma_wait3A_151] : memref<32x80x128xi32, #tpu.memory_space<hbm>> -> memref<1x1x128xi32, #tpu.memory_space<hbm>>
      %dma_wait3A_153 = tpu.memref_squeeze %dma_wait3A_152 : memref<1x1x128xi32, #tpu.memory_space<hbm>> -> memref<128xi32, #tpu.memory_space<hbm>>
      %dma_wait3A_154 = arith.constant 0 : i32
      %dma_wait3A_155 = tpu.memref_slice %arg4[%add3A, %add3A_144, %dma_wait3A_154] : memref<32x80x128xi32, #tpu.memory_space<hbm>> -> memref<1x1x128xi32, #tpu.memory_space<hbm>>
      %dma_wait3A_156 = tpu.memref_squeeze %dma_wait3A_155 : memref<1x1x128xi32, #tpu.memory_space<hbm>> -> memref<128xi32, #tpu.memory_space<hbm>>
      tpu.wait_dma2 semaphore(%arg15 : memref<!tpu.dma_semaphore, #tpu.memory_space<semaphore_mem>>) src(%dma_wait3A_156 : memref<128xi32, #tpu.memory_space<hbm>>) dst(%arg8 : memref<128xi32, #tpu.memory_space<vmem>>)
      "tpu.region"() ({
        %run_scoped3A = tpu.sem_alloc : memref<!tpu.dma_semaphore, #tpu.memory_space<semaphore_mem>>
        %dma_start3A_172 = arith.constant 0 : i32
        %dma_start3A_173 = arith.constant 0 : i32
        %dma_start3A_174 = tpu.memref_slice %arg11[%dma_start3A_172, %dma_start3A_173] : memref<10240x128xf32, #tpu.memory_space<vmem_shared>> -> memref<10240x128xf32, #tpu.memory_space<vmem_shared>>
        tpu.enqueue_indirect_dma source(%arg10 : memref<128x128xf32, #tpu.memory_space<vmem>>) target(%dma_start3A_174 : memref<10240x128xf32, #tpu.memory_space<vmem_shared>>) offsets(%arg8 : memref<128xi32, #tpu.memory_space<vmem>>) semaphore(%run_scoped3A : memref<!tpu.dma_semaphore, #tpu.memory_space<semaphore_mem>>) {add = true}
        %dma_wait3A_175 = arith.constant 0 : i32
        %dma_wait3A_176 = arith.constant 0 : i32
        %dma_wait3A_177 = tpu.memref_slice %arg11[%dma_wait3A_175, %dma_wait3A_176] : memref<10240x128xf32, #tpu.memory_space<vmem_shared>> -> memref<10240x128xf32, #tpu.memory_space<vmem_shared>>
        tpu.wait_indirect_dma semaphore(%run_scoped3A : memref<!tpu.dma_semaphore, #tpu.memory_space<semaphore_mem>>) src(%arg10 : memref<128x128xf32, #tpu.memory_space<vmem>>) dst(%dma_wait3A_177 : memref<10240x128xf32, #tpu.memory_space<vmem_shared>>)
        tpu.yield
      }) : () -> ()
      %add3A_157 = arith.constant 2 : i32
      %add3A_158 = arith.addi %add3A_144, %add3A_157 : i32
      %dma_start3A_159 = arith.constant 0 : i32
      %dma_start3A_160 = tpu.memref_slice %arg6[%add3A_158, %dma_start3A_159] : memref<80x128xi32, #tpu.memory_space<vmem>> -> memref<1x128xi32, #tpu.memory_space<vmem>>
      %dma_start3A_161 = tpu.memref_squeeze %dma_start3A_160 : memref<1x128xi32, #tpu.memory_space<vmem>> -> memref<128xi32, #tpu.memory_space<vmem>>
      %dma_start3A_162 = arith.constant 0 : i32
      %dma_start3A_163 = arith.constant 0 : i32
      %dma_start3A_164 = tpu.memref_slice %arg2[%dma_start3A_162, %dma_start3A_163] : memref<10000x128xf32, #tpu.memory_space<hbm>> -> memref<10000x128xf32, #tpu.memory_space<hbm>>
      tpu.enqueue_indirect_dma source(%dma_start3A_164 : memref<10000x128xf32, #tpu.memory_space<hbm>>) target(%arg10 : memref<128x128xf32, #tpu.memory_space<vmem>>) offsets(%dma_start3A_161 : memref<128xi32, #tpu.memory_space<vmem>>) semaphore(%arg13 : memref<!tpu.dma_semaphore, #tpu.memory_space<semaphore_mem>>)
      %dma_start3A_165 = arith.constant 0 : i32
      %dma_start3A_166 = tpu.memref_slice %arg4[%add3A, %add3A_158, %dma_start3A_165] : memref<32x80x128xi32, #tpu.memory_space<hbm>> -> memref<1x1x128xi32, #tpu.memory_space<hbm>>
      %dma_start3A_167 = tpu.memref_squeeze %dma_start3A_166 : memref<1x1x128xi32, #tpu.memory_space<hbm>> -> memref<128xi32, #tpu.memory_space<hbm>>
      %dma_start3A_168 = arith.constant 0 : i32
      %dma_start3A_169 = tpu.memref_slice %arg4[%add3A, %add3A_158, %dma_start3A_168] : memref<32x80x128xi32, #tpu.memory_space<hbm>> -> memref<1x1x128xi32, #tpu.memory_space<hbm>>
      %dma_start3A_170 = tpu.memref_squeeze %dma_start3A_169 : memref<1x1x128xi32, #tpu.memory_space<hbm>> -> memref<128xi32, #tpu.memory_space<hbm>>
      tpu.enqueue_dma source(%dma_start3A_170 : memref<128xi32, #tpu.memory_space<hbm>>) target(%arg8 : memref<128xi32, #tpu.memory_space<vmem>>) target_semaphore(%arg15 : memref<!tpu.dma_semaphore, #tpu.memory_space<semaphore_mem>>)
      %scan3A_171 = arith.constant 0 : i32
      scf.yield %scan3A_171 : i32
    }
    %scan3A_60 = arith.constant 39 : i32
    %dma_wait3A = arith.constant 78 : i32
    %dma_wait3A_61 = arith.constant 0 : i32
    %dma_wait3A_62 = tpu.memref_slice %arg6[%dma_wait3A, %dma_wait3A_61] : memref<80x128xi32, #tpu.memory_space<vmem>> -> memref<1x128xi32, #tpu.memory_space<vmem>>
    %dma_wait3A_63 = tpu.memref_squeeze %dma_wait3A_62 : memref<1x128xi32, #tpu.memory_space<vmem>> -> memref<128xi32, #tpu.memory_space<vmem>>
    %dma_wait3A_64 = arith.constant 0 : i32
    %dma_wait3A_65 = arith.constant 0 : i32
    %dma_wait3A_66 = tpu.memref_slice %arg2[%dma_wait3A_64, %dma_wait3A_65] : memref<10000x128xf32, #tpu.memory_space<hbm>> -> memref<10000x128xf32, #tpu.memory_space<hbm>>
    tpu.wait_indirect_dma semaphore(%arg12 : memref<!tpu.dma_semaphore, #tpu.memory_space<semaphore_mem>>) src(%dma_wait3A_66 : memref<10000x128xf32, #tpu.memory_space<hbm>>) dst(%arg9 : memref<128x128xf32, #tpu.memory_space<vmem>>)
    %dma_wait3A_67 = arith.constant 78 : i32
    %dma_wait3A_68 = arith.constant 0 : i32
    %dma_wait3A_69 = tpu.memref_slice %arg4[%add3A, %dma_wait3A_67, %dma_wait3A_68] : memref<32x80x128xi32, #tpu.memory_space<hbm>> -> memref<1x1x128xi32, #tpu.memory_space<hbm>>
    %dma_wait3A_70 = tpu.memref_squeeze %dma_wait3A_69 : memref<1x1x128xi32, #tpu.memory_space<hbm>> -> memref<128xi32, #tpu.memory_space<hbm>>
    %dma_wait3A_71 = arith.constant 0 : i32
    %dma_wait3A_72 = tpu.memref_slice %arg4[%add3A, %dma_wait3A_67, %dma_wait3A_71] : memref<32x80x128xi32, #tpu.memory_space<hbm>> -> memref<1x1x128xi32, #tpu.memory_space<hbm>>
    %dma_wait3A_73 = tpu.memref_squeeze %dma_wait3A_72 : memref<1x1x128xi32, #tpu.memory_space<hbm>> -> memref<128xi32, #tpu.memory_space<hbm>>
    tpu.wait_dma2 semaphore(%arg14 : memref<!tpu.dma_semaphore, #tpu.memory_space<semaphore_mem>>) src(%dma_wait3A_73 : memref<128xi32, #tpu.memory_space<hbm>>) dst(%arg7 : memref<128xi32, #tpu.memory_space<vmem>>)
    "tpu.region"() ({
      %run_scoped3A = tpu.sem_alloc : memref<!tpu.dma_semaphore, #tpu.memory_space<semaphore_mem>>
      %dma_start3A_109 = arith.constant 0 : i32
      %dma_start3A_110 = arith.constant 0 : i32
      %dma_start3A_111 = tpu.memref_slice %arg11[%dma_start3A_109, %dma_start3A_110] : memref<10240x128xf32, #tpu.memory_space<vmem_shared>> -> memref<10240x128xf32, #tpu.memory_space<vmem_shared>>
      tpu.enqueue_indirect_dma source(%arg9 : memref<128x128xf32, #tpu.memory_space<vmem>>) target(%dma_start3A_111 : memref<10240x128xf32, #tpu.memory_space<vmem_shared>>) offsets(%arg7 : memref<128xi32, #tpu.memory_space<vmem>>) semaphore(%run_scoped3A : memref<!tpu.dma_semaphore, #tpu.memory_space<semaphore_mem>>) {add = true}
      %dma_wait3A_112 = arith.constant 0 : i32
      %dma_wait3A_113 = arith.constant 0 : i32
      %dma_wait3A_114 = tpu.memref_slice %arg11[%dma_wait3A_112, %dma_wait3A_113] : memref<10240x128xf32, #tpu.memory_space<vmem_shared>> -> memref<10240x128xf32, #tpu.memory_space<vmem_shared>>
      tpu.wait_indirect_dma semaphore(%run_scoped3A : memref<!tpu.dma_semaphore, #tpu.memory_space<semaphore_mem>>) src(%arg9 : memref<128x128xf32, #tpu.memory_space<vmem>>) dst(%dma_wait3A_114 : memref<10240x128xf32, #tpu.memory_space<vmem_shared>>)
      tpu.yield
    }) : () -> ()
    %dma_wait3A_74 = arith.constant 79 : i32
    %dma_wait3A_75 = arith.constant 0 : i32
    %dma_wait3A_76 = tpu.memref_slice %arg6[%dma_wait3A_74, %dma_wait3A_75] : memref<80x128xi32, #tpu.memory_space<vmem>> -> memref<1x128xi32, #tpu.memory_space<vmem>>
    %dma_wait3A_77 = tpu.memref_squeeze %dma_wait3A_76 : memref<1x128xi32, #tpu.memory_space<vmem>> -> memref<128xi32, #tpu.memory_space<vmem>>
    %dma_wait3A_78 = arith.constant 0 : i32
    %dma_wait3A_79 = arith.constant 0 : i32
    %dma_wait3A_80 = tpu.memref_slice %arg2[%dma_wait3A_78, %dma_wait3A_79] : memref<10000x128xf32, #tpu.memory_space<hbm>> -> memref<10000x128xf32, #tpu.memory_space<hbm>>
    tpu.wait_indirect_dma semaphore(%arg13 : memref<!tpu.dma_semaphore, #tpu.memory_space<semaphore_mem>>) src(%dma_wait3A_80 : memref<10000x128xf32, #tpu.memory_space<hbm>>) dst(%arg10 : memref<128x128xf32, #tpu.memory_space<vmem>>)
    %dma_wait3A_81 = arith.constant 79 : i32
    %dma_wait3A_82 = arith.constant 0 : i32
    %dma_wait3A_83 = tpu.memref_slice %arg4[%add3A, %dma_wait3A_81, %dma_wait3A_82] : memref<32x80x128xi32, #tpu.memory_space<hbm>> -> memref<1x1x128xi32, #tpu.memory_space<hbm>>
    %dma_wait3A_84 = tpu.memref_squeeze %dma_wait3A_83 : memref<1x1x128xi32, #tpu.memory_space<hbm>> -> memref<128xi32, #tpu.memory_space<hbm>>
    %dma_wait3A_85 = arith.constant 0 : i32
    %dma_wait3A_86 = tpu.memref_slice %arg4[%add3A, %dma_wait3A_81, %dma_wait3A_85] : memref<32x80x128xi32, #tpu.memory_space<hbm>> -> memref<1x1x128xi32, #tpu.memory_space<hbm>>
    %dma_wait3A_87 = tpu.memref_squeeze %dma_wait3A_86 : memref<1x1x128xi32, #tpu.memory_space<hbm>> -> memref<128xi32, #tpu.memory_space<hbm>>
    tpu.wait_dma2 semaphore(%arg15 : memref<!tpu.dma_semaphore, #tpu.memory_space<semaphore_mem>>) src(%dma_wait3A_87 : memref<128xi32, #tpu.memory_space<hbm>>) dst(%arg8 : memref<128xi32, #tpu.memory_space<vmem>>)
    "tpu.region"() ({
      %run_scoped3A = tpu.sem_alloc : memref<!tpu.dma_semaphore, #tpu.memory_space<semaphore_mem>>
      %dma_start3A_109 = arith.constant 0 : i32
      %dma_start3A_110 = arith.constant 0 : i32
      %dma_start3A_111 = tpu.memref_slice %arg11[%dma_start3A_109, %dma_start3A_110] : memref<10240x128xf32, #tpu.memory_space<vmem_shared>> -> memref<10240x128xf32, #tpu.memory_space<vmem_shared>>
      tpu.enqueue_indirect_dma source(%arg10 : memref<128x128xf32, #tpu.memory_space<vmem>>) target(%dma_start3A_111 : memref<10240x128xf32, #tpu.memory_space<vmem_shared>>) offsets(%arg8 : memref<128xi32, #tpu.memory_space<vmem>>) semaphore(%run_scoped3A : memref<!tpu.dma_semaphore, #tpu.memory_space<semaphore_mem>>) {add = true}
      %dma_wait3A_112 = arith.constant 0 : i32
      %dma_wait3A_113 = arith.constant 0 : i32
      %dma_wait3A_114 = tpu.memref_slice %arg11[%dma_wait3A_112, %dma_wait3A_113] : memref<10240x128xf32, #tpu.memory_space<vmem_shared>> -> memref<10240x128xf32, #tpu.memory_space<vmem_shared>>
      tpu.wait_indirect_dma semaphore(%run_scoped3A : memref<!tpu.dma_semaphore, #tpu.memory_space<semaphore_mem>>) src(%arg10 : memref<128x128xf32, #tpu.memory_space<vmem>>) dst(%dma_wait3A_114 : memref<10240x128xf32, #tpu.memory_space<vmem_shared>>)
      tpu.yield
    }) : () -> ()
    %barrier3A_88 = arith.constant 0 : index
    tpu.barrier barrier_id(%barrier3A_88)
    %mul3A_89 = arith.constant 640 : i32
    %mul3A_90 = arith.muli %arg1, %mul3A_89 : i32
    %add3A_91 = arith.constant 0 : i32
    %add3A_92 = arith.addi %mul3A_90, %add3A_91 : i32
    "tpu.region"() ({
      %run_scoped3A = tpu.sem_alloc : memref<!tpu.dma_semaphore, #tpu.memory_space<semaphore_mem>>
      %dma_start3A_109 = arith.constant 0 : i32
      %dma_start3A_110 = tpu.memref_slice %arg11[%add3A_92, %dma_start3A_109] : memref<10240x128xf32, #tpu.memory_space<vmem_shared>> -> memref<128x128xf32, #tpu.memory_space<vmem_shared>>
      %dma_start3A_111 = arith.constant 0 : i32
      %dma_start3A_112 = tpu.memref_slice %arg11[%add3A_92, %dma_start3A_111] : memref<10240x128xf32, #tpu.memory_space<vmem_shared>> -> memref<128x128xf32, #tpu.memory_space<vmem_shared>>
      tpu.enqueue_dma source(%dma_start3A_112 : memref<128x128xf32, #tpu.memory_space<vmem_shared>>) target(%arg9 : memref<128x128xf32, #tpu.memory_space<vmem>>) target_semaphore(%run_scoped3A : memref<!tpu.dma_semaphore, #tpu.memory_space<semaphore_mem>>)
      %dma_wait3A_113 = arith.constant 0 : i32
      %dma_wait3A_114 = tpu.memref_slice %arg11[%add3A_92, %dma_wait3A_113] : memref<10240x128xf32, #tpu.memory_space<vmem_shared>> -> memref<128x128xf32, #tpu.memory_space<vmem_shared>>
      %dma_wait3A_115 = arith.constant 0 : i32
      %dma_wait3A_116 = tpu.memref_slice %arg11[%add3A_92, %dma_wait3A_115] : memref<10240x128xf32, #tpu.memory_space<vmem_shared>> -> memref<128x128xf32, #tpu.memory_space<vmem_shared>>
      tpu.wait_dma2 semaphore(%run_scoped3A : memref<!tpu.dma_semaphore, #tpu.memory_space<semaphore_mem>>) src(%dma_wait3A_116 : memref<128x128xf32, #tpu.memory_space<vmem_shared>>) dst(%arg9 : memref<128x128xf32, #tpu.memory_space<vmem>>)
      tpu.yield
    }) : () -> ()
    "tpu.region"() ({
      %run_scoped3A = tpu.sem_alloc : memref<!tpu.dma_semaphore, #tpu.memory_space<semaphore_mem>>
      %dma_start3A_109 = arith.constant 0 : i32
      %dma_start3A_110 = tpu.memref_slice %arg5[%arg0, %add3A_92, %dma_start3A_109] : memref<2x10240x128xf32, #tpu.memory_space<hbm>> -> memref<1x128x128xf32, #tpu.memory_space<hbm>>
      %dma_start3A_111 = tpu.memref_squeeze %dma_start3A_110 : memref<1x128x128xf32, #tpu.memory_space<hbm>> -> memref<128x128xf32, #tpu.memory_space<hbm>>
      %dma_start3A_112 = arith.constant 0 : i32
      %dma_start3A_113 = tpu.memref_slice %arg5[%arg0, %add3A_92, %dma_start3A_112] : memref<2x10240x128xf32, #tpu.memory_space<hbm>> -> memref<1x128x128xf32, #tpu.memory_space<hbm>>
      %dma_start3A_114 = tpu.memref_squeeze %dma_start3A_113 : memref<1x128x128xf32, #tpu.memory_space<hbm>> -> memref<128x128xf32, #tpu.memory_space<hbm>>
      tpu.enqueue_dma source(%arg9 : memref<128x128xf32, #tpu.memory_space<vmem>>) target(%dma_start3A_114 : memref<128x128xf32, #tpu.memory_space<hbm>>) target_semaphore(%run_scoped3A : memref<!tpu.dma_semaphore, #tpu.memory_space<semaphore_mem>>)
      %dma_wait3A_115 = arith.constant 0 : i32
      %dma_wait3A_116 = tpu.memref_slice %arg5[%arg0, %add3A_92, %dma_wait3A_115] : memref<2x10240x128xf32, #tpu.memory_space<hbm>> -> memref<1x128x128xf32, #tpu.memory_space<hbm>>
      %dma_wait3A_117 = tpu.memref_squeeze %dma_wait3A_116 : memref<1x128x128xf32, #tpu.memory_space<hbm>> -> memref<128x128xf32, #tpu.memory_space<hbm>>
      %dma_wait3A_118 = arith.constant 0 : i32
      %dma_wait3A_119 = tpu.memref_slice %arg5[%arg0, %add3A_92, %dma_wait3A_118] : memref<2x10240x128xf32, #tpu.memory_space<hbm>> -> memref<1x128x128xf32, #tpu.memory_space<hbm>>
      %dma_wait3A_120 = tpu.memref_squeeze %dma_wait3A_119 : memref<1x128x128xf32, #tpu.memory_space<hbm>> -> memref<128x128xf32, #tpu.memory_space<hbm>>
      tpu.wait_dma2 semaphore(%run_scoped3A : memref<!tpu.dma_semaphore, #tpu.memory_space<semaphore_mem>>) src(%arg9 : memref<128x128xf32, #tpu.memory_space<vmem>>) dst(%dma_wait3A_120 : memref<128x128xf32, #tpu.memory_space<hbm>>)
      tpu.yield
    }) : () -> ()
    %mul3A_93 = arith.constant 640 : i32
    %mul3A_94 = arith.muli %arg1, %mul3A_93 : i32
    %add3A_95 = arith.constant 128 : i32
    %add3A_96 = arith.addi %mul3A_94, %add3A_95 : i32
    "tpu.region"() ({
      %run_scoped3A = tpu.sem_alloc : memref<!tpu.dma_semaphore, #tpu.memory_space<semaphore_mem>>
      %dma_start3A_109 = arith.constant 0 : i32
      %dma_start3A_110 = tpu.memref_slice %arg11[%add3A_96, %dma_start3A_109] : memref<10240x128xf32, #tpu.memory_space<vmem_shared>> -> memref<128x128xf32, #tpu.memory_space<vmem_shared>>
      %dma_start3A_111 = arith.constant 0 : i32
      %dma_start3A_112 = tpu.memref_slice %arg11[%add3A_96, %dma_start3A_111] : memref<10240x128xf32, #tpu.memory_space<vmem_shared>> -> memref<128x128xf32, #tpu.memory_space<vmem_shared>>
      tpu.enqueue_dma source(%dma_start3A_112 : memref<128x128xf32, #tpu.memory_space<vmem_shared>>) target(%arg9 : memref<128x128xf32, #tpu.memory_space<vmem>>) target_semaphore(%run_scoped3A : memref<!tpu.dma_semaphore, #tpu.memory_space<semaphore_mem>>)
      %dma_wait3A_113 = arith.constant 0 : i32
      %dma_wait3A_114 = tpu.memref_slice %arg11[%add3A_96, %dma_wait3A_113] : memref<10240x128xf32, #tpu.memory_space<vmem_shared>> -> memref<128x128xf32, #tpu.memory_space<vmem_shared>>
      %dma_wait3A_115 = arith.constant 0 : i32
      %dma_wait3A_116 = tpu.memref_slice %arg11[%add3A_96, %dma_wait3A_115] : memref<10240x128xf32, #tpu.memory_space<vmem_shared>> -> memref<128x128xf32, #tpu.memory_space<vmem_shared>>
      tpu.wait_dma2 semaphore(%run_scoped3A : memref<!tpu.dma_semaphore, #tpu.memory_space<semaphore_mem>>) src(%dma_wait3A_116 : memref<128x128xf32, #tpu.memory_space<vmem_shared>>) dst(%arg9 : memref<128x128xf32, #tpu.memory_space<vmem>>)
      tpu.yield
    }) : () -> ()
    "tpu.region"() ({
      %run_scoped3A = tpu.sem_alloc : memref<!tpu.dma_semaphore, #tpu.memory_space<semaphore_mem>>
      %dma_start3A_109 = arith.constant 0 : i32
      %dma_start3A_110 = tpu.memref_slice %arg5[%arg0, %add3A_96, %dma_start3A_109] : memref<2x10240x128xf32, #tpu.memory_space<hbm>> -> memref<1x128x128xf32, #tpu.memory_space<hbm>>
      %dma_start3A_111 = tpu.memref_squeeze %dma_start3A_110 : memref<1x128x128xf32, #tpu.memory_space<hbm>> -> memref<128x128xf32, #tpu.memory_space<hbm>>
      %dma_start3A_112 = arith.constant 0 : i32
      %dma_start3A_113 = tpu.memref_slice %arg5[%arg0, %add3A_96, %dma_start3A_112] : memref<2x10240x128xf32, #tpu.memory_space<hbm>> -> memref<1x128x128xf32, #tpu.memory_space<hbm>>
      %dma_start3A_114 = tpu.memref_squeeze %dma_start3A_113 : memref<1x128x128xf32, #tpu.memory_space<hbm>> -> memref<128x128xf32, #tpu.memory_space<hbm>>
      tpu.enqueue_dma source(%arg9 : memref<128x128xf32, #tpu.memory_space<vmem>>) target(%dma_start3A_114 : memref<128x128xf32, #tpu.memory_space<hbm>>) target_semaphore(%run_scoped3A : memref<!tpu.dma_semaphore, #tpu.memory_space<semaphore_mem>>)
      %dma_wait3A_115 = arith.constant 0 : i32
      %dma_wait3A_116 = tpu.memref_slice %arg5[%arg0, %add3A_96, %dma_wait3A_115] : memref<2x10240x128xf32, #tpu.memory_space<hbm>> -> memref<1x128x128xf32, #tpu.memory_space<hbm>>
      %dma_wait3A_117 = tpu.memref_squeeze %dma_wait3A_116 : memref<1x128x128xf32, #tpu.memory_space<hbm>> -> memref<128x128xf32, #tpu.memory_space<hbm>>
      %dma_wait3A_118 = arith.constant 0 : i32
      %dma_wait3A_119 = tpu.memref_slice %arg5[%arg0, %add3A_96, %dma_wait3A_118] : memref<2x10240x128xf32, #tpu.memory_space<hbm>> -> memref<1x128x128xf32, #tpu.memory_space<hbm>>
      %dma_wait3A_120 = tpu.memref_squeeze %dma_wait3A_119 : memref<1x128x128xf32, #tpu.memory_space<hbm>> -> memref<128x128xf32, #tpu.memory_space<hbm>>
      tpu.wait_dma2 semaphore(%run_scoped3A : memref<!tpu.dma_semaphore, #tpu.memory_space<semaphore_mem>>) src(%arg9 : memref<128x128xf32, #tpu.memory_space<vmem>>) dst(%dma_wait3A_120 : memref<128x128xf32, #tpu.memory_space<hbm>>)
      tpu.yield
    }) : () -> ()
    %mul3A_97 = arith.constant 640 : i32
    %mul3A_98 = arith.muli %arg1, %mul3A_97 : i32
    %add3A_99 = arith.constant 256 : i32
    %add3A_100 = arith.addi %mul3A_98, %add3A_99 : i32
    "tpu.region"() ({
      %run_scoped3A = tpu.sem_alloc : memref<!tpu.dma_semaphore, #tpu.memory_space<semaphore_mem>>
      %dma_start3A_109 = arith.constant 0 : i32
      %dma_start3A_110 = tpu.memref_slice %arg11[%add3A_100, %dma_start3A_109] : memref<10240x128xf32, #tpu.memory_space<vmem_shared>> -> memref<128x128xf32, #tpu.memory_space<vmem_shared>>
      %dma_start3A_111 = arith.constant 0 : i32
      %dma_start3A_112 = tpu.memref_slice %arg11[%add3A_100, %dma_start3A_111] : memref<10240x128xf32, #tpu.memory_space<vmem_shared>> -> memref<128x128xf32, #tpu.memory_space<vmem_shared>>
      tpu.enqueue_dma source(%dma_start3A_112 : memref<128x128xf32, #tpu.memory_space<vmem_shared>>) target(%arg9 : memref<128x128xf32, #tpu.memory_space<vmem>>) target_semaphore(%run_scoped3A : memref<!tpu.dma_semaphore, #tpu.memory_space<semaphore_mem>>)
      %dma_wait3A_113 = arith.constant 0 : i32
      %dma_wait3A_114 = tpu.memref_slice %arg11[%add3A_100, %dma_wait3A_113] : memref<10240x128xf32, #tpu.memory_space<vmem_shared>> -> memref<128x128xf32, #tpu.memory_space<vmem_shared>>
      %dma_wait3A_115 = arith.constant 0 : i32
      %dma_wait3A_116 = tpu.memref_slice %arg11[%add3A_100, %dma_wait3A_115] : memref<10240x128xf32, #tpu.memory_space<vmem_shared>> -> memref<128x128xf32, #tpu.memory_space<vmem_shared>>
      tpu.wait_dma2 semaphore(%run_scoped3A : memref<!tpu.dma_semaphore, #tpu.memory_space<semaphore_mem>>) src(%dma_wait3A_116 : memref<128x128xf32, #tpu.memory_space<vmem_shared>>) dst(%arg9 : memref<128x128xf32, #tpu.memory_space<vmem>>)
      tpu.yield
    }) : () -> ()
    "tpu.region"() ({
      %run_scoped3A = tpu.sem_alloc : memref<!tpu.dma_semaphore, #tpu.memory_space<semaphore_mem>>
      %dma_start3A_109 = arith.constant 0 : i32
      %dma_start3A_110 = tpu.memref_slice %arg5[%arg0, %add3A_100, %dma_start3A_109] : memref<2x10240x128xf32, #tpu.memory_space<hbm>> -> memref<1x128x128xf32, #tpu.memory_space<hbm>>
      %dma_start3A_111 = tpu.memref_squeeze %dma_start3A_110 : memref<1x128x128xf32, #tpu.memory_space<hbm>> -> memref<128x128xf32, #tpu.memory_space<hbm>>
      %dma_start3A_112 = arith.constant 0 : i32
      %dma_start3A_113 = tpu.memref_slice %arg5[%arg0, %add3A_100, %dma_start3A_112] : memref<2x10240x128xf32, #tpu.memory_space<hbm>> -> memref<1x128x128xf32, #tpu.memory_space<hbm>>
      %dma_start3A_114 = tpu.memref_squeeze %dma_start3A_113 : memref<1x128x128xf32, #tpu.memory_space<hbm>> -> memref<128x128xf32, #tpu.memory_space<hbm>>
      tpu.enqueue_dma source(%arg9 : memref<128x128xf32, #tpu.memory_space<vmem>>) target(%dma_start3A_114 : memref<128x128xf32, #tpu.memory_space<hbm>>) target_semaphore(%run_scoped3A : memref<!tpu.dma_semaphore, #tpu.memory_space<semaphore_mem>>)
      %dma_wait3A_115 = arith.constant 0 : i32
      %dma_wait3A_116 = tpu.memref_slice %arg5[%arg0, %add3A_100, %dma_wait3A_115] : memref<2x10240x128xf32, #tpu.memory_space<hbm>> -> memref<1x128x128xf32, #tpu.memory_space<hbm>>
      %dma_wait3A_117 = tpu.memref_squeeze %dma_wait3A_116 : memref<1x128x128xf32, #tpu.memory_space<hbm>> -> memref<128x128xf32, #tpu.memory_space<hbm>>
      %dma_wait3A_118 = arith.constant 0 : i32
      %dma_wait3A_119 = tpu.memref_slice %arg5[%arg0, %add3A_100, %dma_wait3A_118] : memref<2x10240x128xf32, #tpu.memory_space<hbm>> -> memref<1x128x128xf32, #tpu.memory_space<hbm>>
      %dma_wait3A_120 = tpu.memref_squeeze %dma_wait3A_119 : memref<1x128x128xf32, #tpu.memory_space<hbm>> -> memref<128x128xf32, #tpu.memory_space<hbm>>
      tpu.wait_dma2 semaphore(%run_scoped3A : memref<!tpu.dma_semaphore, #tpu.memory_space<semaphore_mem>>) src(%arg9 : memref<128x128xf32, #tpu.memory_space<vmem>>) dst(%dma_wait3A_120 : memref<128x128xf32, #tpu.memory_space<hbm>>)
      tpu.yield
    }) : () -> ()
    %mul3A_101 = arith.constant 640 : i32
    %mul3A_102 = arith.muli %arg1, %mul3A_101 : i32
    %add3A_103 = arith.constant 384 : i32
    %add3A_104 = arith.addi %mul3A_102, %add3A_103 : i32
    "tpu.region"() ({
      %run_scoped3A = tpu.sem_alloc : memref<!tpu.dma_semaphore, #tpu.memory_space<semaphore_mem>>
      %dma_start3A_109 = arith.constant 0 : i32
      %dma_start3A_110 = tpu.memref_slice %arg11[%add3A_104, %dma_start3A_109] : memref<10240x128xf32, #tpu.memory_space<vmem_shared>> -> memref<128x128xf32, #tpu.memory_space<vmem_shared>>
      %dma_start3A_111 = arith.constant 0 : i32
      %dma_start3A_112 = tpu.memref_slice %arg11[%add3A_104, %dma_start3A_111] : memref<10240x128xf32, #tpu.memory_space<vmem_shared>> -> memref<128x128xf32, #tpu.memory_space<vmem_shared>>
      tpu.enqueue_dma source(%dma_start3A_112 : memref<128x128xf32, #tpu.memory_space<vmem_shared>>) target(%arg9 : memref<128x128xf32, #tpu.memory_space<vmem>>) target_semaphore(%run_scoped3A : memref<!tpu.dma_semaphore, #tpu.memory_space<semaphore_mem>>)
      %dma_wait3A_113 = arith.constant 0 : i32
      %dma_wait3A_114 = tpu.memref_slice %arg11[%add3A_104, %dma_wait3A_113] : memref<10240x128xf32, #tpu.memory_space<vmem_shared>> -> memref<128x128xf32, #tpu.memory_space<vmem_shared>>
      %dma_wait3A_115 = arith.constant 0 : i32
      %dma_wait3A_116 = tpu.memref_slice %arg11[%add3A_104, %dma_wait3A_115] : memref<10240x128xf32, #tpu.memory_space<vmem_shared>> -> memref<128x128xf32, #tpu.memory_space<vmem_shared>>
      tpu.wait_dma2 semaphore(%run_scoped3A : memref<!tpu.dma_semaphore, #tpu.memory_space<semaphore_mem>>) src(%dma_wait3A_116 : memref<128x128xf32, #tpu.memory_space<vmem_shared>>) dst(%arg9 : memref<128x128xf32, #tpu.memory_space<vmem>>)
      tpu.yield
    }) : () -> ()
    "tpu.region"() ({
      %run_scoped3A = tpu.sem_alloc : memref<!tpu.dma_semaphore, #tpu.memory_space<semaphore_mem>>
      %dma_start3A_109 = arith.constant 0 : i32
      %dma_start3A_110 = tpu.memref_slice %arg5[%arg0, %add3A_104, %dma_start3A_109] : memref<2x10240x128xf32, #tpu.memory_space<hbm>> -> memref<1x128x128xf32, #tpu.memory_space<hbm>>
      %dma_start3A_111 = tpu.memref_squeeze %dma_start3A_110 : memref<1x128x128xf32, #tpu.memory_space<hbm>> -> memref<128x128xf32, #tpu.memory_space<hbm>>
      %dma_start3A_112 = arith.constant 0 : i32
      %dma_start3A_113 = tpu.memref_slice %arg5[%arg0, %add3A_104, %dma_start3A_112] : memref<2x10240x128xf32, #tpu.memory_space<hbm>> -> memref<1x128x128xf32, #tpu.memory_space<hbm>>
      %dma_start3A_114 = tpu.memref_squeeze %dma_start3A_113 : memref<1x128x128xf32, #tpu.memory_space<hbm>> -> memref<128x128xf32, #tpu.memory_space<hbm>>
      tpu.enqueue_dma source(%arg9 : memref<128x128xf32, #tpu.memory_space<vmem>>) target(%dma_start3A_114 : memref<128x128xf32, #tpu.memory_space<hbm>>) target_semaphore(%run_scoped3A : memref<!tpu.dma_semaphore, #tpu.memory_space<semaphore_mem>>)
      %dma_wait3A_115 = arith.constant 0 : i32
      %dma_wait3A_116 = tpu.memref_slice %arg5[%arg0, %add3A_104, %dma_wait3A_115] : memref<2x10240x128xf32, #tpu.memory_space<hbm>> -> memref<1x128x128xf32, #tpu.memory_space<hbm>>
      %dma_wait3A_117 = tpu.memref_squeeze %dma_wait3A_116 : memref<1x128x128xf32, #tpu.memory_space<hbm>> -> memref<128x128xf32, #tpu.memory_space<hbm>>
      %dma_wait3A_118 = arith.constant 0 : i32
      %dma_wait3A_119 = tpu.memref_slice %arg5[%arg0, %add3A_104, %dma_wait3A_118] : memref<2x10240x128xf32, #tpu.memory_space<hbm>> -> memref<1x128x128xf32, #tpu.memory_space<hbm>>
      %dma_wait3A_120 = tpu.memref_squeeze %dma_wait3A_119 : memref<1x128x128xf32, #tpu.memory_space<hbm>> -> memref<128x128xf32, #tpu.memory_space<hbm>>
      tpu.wait_dma2 semaphore(%run_scoped3A : memref<!tpu.dma_semaphore, #tpu.memory_space<semaphore_mem>>) src(%arg9 : memref<128x128xf32, #tpu.memory_space<vmem>>) dst(%dma_wait3A_120 : memref<128x128xf32, #tpu.memory_space<hbm>>)
      tpu.yield
    }) : () -> ()
    %mul3A_105 = arith.constant 640 : i32
    %mul3A_106 = arith.muli %arg1, %mul3A_105 : i32
    %add3A_107 = arith.constant 512 : i32
    %add3A_108 = arith.addi %mul3A_106, %add3A_107 : i32
    "tpu.region"() ({
      %run_scoped3A = tpu.sem_alloc : memref<!tpu.dma_semaphore, #tpu.memory_space<semaphore_mem>>
      %dma_start3A_109 = arith.constant 0 : i32
      %dma_start3A_110 = tpu.memref_slice %arg11[%add3A_108, %dma_start3A_109] : memref<10240x128xf32, #tpu.memory_space<vmem_shared>> -> memref<128x128xf32, #tpu.memory_space<vmem_shared>>
      %dma_start3A_111 = arith.constant 0 : i32
      %dma_start3A_112 = tpu.memref_slice %arg11[%add3A_108, %dma_start3A_111] : memref<10240x128xf32, #tpu.memory_space<vmem_shared>> -> memref<128x128xf32, #tpu.memory_space<vmem_shared>>
      tpu.enqueue_dma source(%dma_start3A_112 : memref<128x128xf32, #tpu.memory_space<vmem_shared>>) target(%arg9 : memref<128x128xf32, #tpu.memory_space<vmem>>) target_semaphore(%run_scoped3A : memref<!tpu.dma_semaphore, #tpu.memory_space<semaphore_mem>>)
      %dma_wait3A_113 = arith.constant 0 : i32
      %dma_wait3A_114 = tpu.memref_slice %arg11[%add3A_108, %dma_wait3A_113] : memref<10240x128xf32, #tpu.memory_space<vmem_shared>> -> memref<128x128xf32, #tpu.memory_space<vmem_shared>>
      %dma_wait3A_115 = arith.constant 0 : i32
      %dma_wait3A_116 = tpu.memref_slice %arg11[%add3A_108, %dma_wait3A_115] : memref<10240x128xf32, #tpu.memory_space<vmem_shared>> -> memref<128x128xf32, #tpu.memory_space<vmem_shared>>
      tpu.wait_dma2 semaphore(%run_scoped3A : memref<!tpu.dma_semaphore, #tpu.memory_space<semaphore_mem>>) src(%dma_wait3A_116 : memref<128x128xf32, #tpu.memory_space<vmem_shared>>) dst(%arg9 : memref<128x128xf32, #tpu.memory_space<vmem>>)
      tpu.yield
    }) : () -> ()
    "tpu.region"() ({
      %run_scoped3A = tpu.sem_alloc : memref<!tpu.dma_semaphore, #tpu.memory_space<semaphore_mem>>
      %dma_start3A_109 = arith.constant 0 : i32
      %dma_start3A_110 = tpu.memref_slice %arg5[%arg0, %add3A_108, %dma_start3A_109] : memref<2x10240x128xf32, #tpu.memory_space<hbm>> -> memref<1x128x128xf32, #tpu.memory_space<hbm>>
      %dma_start3A_111 = tpu.memref_squeeze %dma_start3A_110 : memref<1x128x128xf32, #tpu.memory_space<hbm>> -> memref<128x128xf32, #tpu.memory_space<hbm>>
      %dma_start3A_112 = arith.constant 0 : i32
      %dma_start3A_113 = tpu.memref_slice %arg5[%arg0, %add3A_108, %dma_start3A_112] : memref<2x10240x128xf32, #tpu.memory_space<hbm>> -> memref<1x128x128xf32, #tpu.memory_space<hbm>>
      %dma_start3A_114 = tpu.memref_squeeze %dma_start3A_113 : memref<1x128x128xf32, #tpu.memory_space<hbm>> -> memref<128x128xf32, #tpu.memory_space<hbm>>
      tpu.enqueue_dma source(%arg9 : memref<128x128xf32, #tpu.memory_space<vmem>>) target(%dma_start3A_114 : memref<128x128xf32, #tpu.memory_space<hbm>>) target_semaphore(%run_scoped3A : memref<!tpu.dma_semaphore, #tpu.memory_space<semaphore_mem>>)
      %dma_wait3A_115 = arith.constant 0 : i32
      %dma_wait3A_116 = tpu.memref_slice %arg5[%arg0, %add3A_108, %dma_wait3A_115] : memref<2x10240x128xf32, #tpu.memory_space<hbm>> -> memref<1x128x128xf32, #tpu.memory_space<hbm>>
      %dma_wait3A_117 = tpu.memref_squeeze %dma_wait3A_116 : memref<1x128x128xf32, #tpu.memory_space<hbm>> -> memref<128x128xf32, #tpu.memory_space<hbm>>
      %dma_wait3A_118 = arith.constant 0 : i32
      %dma_wait3A_119 = tpu.memref_slice %arg5[%arg0, %add3A_108, %dma_wait3A_118] : memref<2x10240x128xf32, #tpu.memory_space<hbm>> -> memref<1x128x128xf32, #tpu.memory_space<hbm>>
      %dma_wait3A_120 = tpu.memref_squeeze %dma_wait3A_119 : memref<1x128x128xf32, #tpu.memory_space<hbm>> -> memref<128x128xf32, #tpu.memory_space<hbm>>
      tpu.wait_dma2 semaphore(%run_scoped3A : memref<!tpu.dma_semaphore, #tpu.memory_space<semaphore_mem>>) src(%arg9 : memref<128x128xf32, #tpu.memory_space<vmem>>) dst(%dma_wait3A_120 : memref<128x128xf32, #tpu.memory_space<hbm>>)
      tpu.yield
    }) : () -> ()
    return
  }
}

#map = affine_map<(d0, d1) -> (0, 0, 0, 0)>
#map1 = affine_map<(d0, d1) -> (0, 0)>
module attributes {stable_mosaic.version = 14 : i64} {
  func.func @_hist_kernel(%arg0: i32, %arg1: i32, %arg2: memref<2x16x160x128xi32, #tpu.memory_space<hbm>>, %arg3: memref<2x10240xf32, #tpu.memory_space<hbm>>, %arg4: memref<160x128xi32, #tpu.memory_space<vmem>>, %arg5: memref<128xf32, #tpu.memory_space<vmem>>, %arg6: memref<640xf32, #tpu.memory_space<vmem>>, %arg7: memref<10240xf32, #tpu.memory_space<vmem_shared>>, %arg8: memref<!tpu.dma_semaphore, #tpu.memory_space<semaphore_mem>>) attributes {dimension_semantics = [#tpu.dimension_semantics<core_parallel>, #tpu.dimension_semantics<subcore_parallel>], iteration_bounds = array<i64: 2, 16>, scalar_prefetch = 0 : i64, scratch_operands = 5 : i64, tpu.core_type = #tpu.core_type<sc_vector_subcore>, window_params = [{transform_indices = #map}, {transform_indices = #map1}]} {
    %broadcast_in_dim3A = arith.constant 1.000000e+00 : f32
    %broadcast_in_dim3A_0 = vector.broadcast %broadcast_in_dim3A : f32 to vector<16xf32>
    %swap3A = arith.constant 0 : index
    %swap3A_1 = tpu.vector_load %arg5[%swap3A] {strides = array<i32>} : memref<128xf32, #tpu.memory_space<vmem>>, vector<16xf32>,
    %swap3A_2 = vector.shape_cast %swap3A_1 : vector<16xf32> to vector<16xf32>
    %swap3A_3 = vector.shape_cast %broadcast_in_dim3A_0 : vector<16xf32> to vector<16xf32>
    tpu.vector_store %arg5[%swap3A], %swap3A_3 {strides = array<i32>} : memref<128xf32, #tpu.memory_space<vmem>>, vector<16xf32>,
    %broadcast_in_dim3A_4 = arith.constant 1.000000e+00 : f32
    %broadcast_in_dim3A_5 = vector.broadcast %broadcast_in_dim3A_4 : f32 to vector<16xf32>
    %swap3A_6 = arith.constant 16 : index
    %swap3A_7 = tpu.vector_load %arg5[%swap3A_6] {strides = array<i32>} : memref<128xf32, #tpu.memory_space<vmem>>, vector<16xf32>,
    %swap3A_8 = vector.shape_cast %swap3A_7 : vector<16xf32> to vector<16xf32>
    %swap3A_9 = vector.shape_cast %broadcast_in_dim3A_5 : vector<16xf32> to vector<16xf32>
    tpu.vector_store %arg5[%swap3A_6], %swap3A_9 {strides = array<i32>} : memref<128xf32, #tpu.memory_space<vmem>>, vector<16xf32>,
    %broadcast_in_dim3A_10 = arith.constant 1.000000e+00 : f32
    %broadcast_in_dim3A_11 = vector.broadcast %broadcast_in_dim3A_10 : f32 to vector<16xf32>
    %swap3A_12 = arith.constant 32 : index
    %swap3A_13 = tpu.vector_load %arg5[%swap3A_12] {strides = array<i32>} : memref<128xf32, #tpu.memory_space<vmem>>, vector<16xf32>,
    %swap3A_14 = vector.shape_cast %swap3A_13 : vector<16xf32> to vector<16xf32>
    %swap3A_15 = vector.shape_cast %broadcast_in_dim3A_11 : vector<16xf32> to vector<16xf32>
    tpu.vector_store %arg5[%swap3A_12], %swap3A_15 {strides = array<i32>} : memref<128xf32, #tpu.memory_space<vmem>>, vector<16xf32>,
    %broadcast_in_dim3A_16 = arith.constant 1.000000e+00 : f32
    %broadcast_in_dim3A_17 = vector.broadcast %broadcast_in_dim3A_16 : f32 to vector<16xf32>
    %swap3A_18 = arith.constant 48 : index
    %swap3A_19 = tpu.vector_load %arg5[%swap3A_18] {strides = array<i32>} : memref<128xf32, #tpu.memory_space<vmem>>, vector<16xf32>,
    %swap3A_20 = vector.shape_cast %swap3A_19 : vector<16xf32> to vector<16xf32>
    %swap3A_21 = vector.shape_cast %broadcast_in_dim3A_17 : vector<16xf32> to vector<16xf32>
    tpu.vector_store %arg5[%swap3A_18], %swap3A_21 {strides = array<i32>} : memref<128xf32, #tpu.memory_space<vmem>>, vector<16xf32>,
    %broadcast_in_dim3A_22 = arith.constant 1.000000e+00 : f32
    %broadcast_in_dim3A_23 = vector.broadcast %broadcast_in_dim3A_22 : f32 to vector<16xf32>
    %swap3A_24 = arith.constant 64 : index
    %swap3A_25 = tpu.vector_load %arg5[%swap3A_24] {strides = array<i32>} : memref<128xf32, #tpu.memory_space<vmem>>, vector<16xf32>,
    %swap3A_26 = vector.shape_cast %swap3A_25 : vector<16xf32> to vector<16xf32>
    %swap3A_27 = vector.shape_cast %broadcast_in_dim3A_23 : vector<16xf32> to vector<16xf32>
    tpu.vector_store %arg5[%swap3A_24], %swap3A_27 {strides = array<i32>} : memref<128xf32, #tpu.memory_space<vmem>>, vector<16xf32>,
    %broadcast_in_dim3A_28 = arith.constant 1.000000e+00 : f32
    %broadcast_in_dim3A_29 = vector.broadcast %broadcast_in_dim3A_28 : f32 to vector<16xf32>
    %swap3A_30 = arith.constant 80 : index
    %swap3A_31 = tpu.vector_load %arg5[%swap3A_30] {strides = array<i32>} : memref<128xf32, #tpu.memory_space<vmem>>, vector<16xf32>,
    %swap3A_32 = vector.shape_cast %swap3A_31 : vector<16xf32> to vector<16xf32>
    %swap3A_33 = vector.shape_cast %broadcast_in_dim3A_29 : vector<16xf32> to vector<16xf32>
    tpu.vector_store %arg5[%swap3A_30], %swap3A_33 {strides = array<i32>} : memref<128xf32, #tpu.memory_space<vmem>>, vector<16xf32>,
    %broadcast_in_dim3A_34 = arith.constant 1.000000e+00 : f32
    %broadcast_in_dim3A_35 = vector.broadcast %broadcast_in_dim3A_34 : f32 to vector<16xf32>
    %swap3A_36 = arith.constant 96 : index
    %swap3A_37 = tpu.vector_load %arg5[%swap3A_36] {strides = array<i32>} : memref<128xf32, #tpu.memory_space<vmem>>, vector<16xf32>,
    %swap3A_38 = vector.shape_cast %swap3A_37 : vector<16xf32> to vector<16xf32>
    %swap3A_39 = vector.shape_cast %broadcast_in_dim3A_35 : vector<16xf32> to vector<16xf32>
    tpu.vector_store %arg5[%swap3A_36], %swap3A_39 {strides = array<i32>} : memref<128xf32, #tpu.memory_space<vmem>>, vector<16xf32>,
    %broadcast_in_dim3A_40 = arith.constant 1.000000e+00 : f32
    %broadcast_in_dim3A_41 = vector.broadcast %broadcast_in_dim3A_40 : f32 to vector<16xf32>
    %swap3A_42 = arith.constant 112 : index
    %swap3A_43 = tpu.vector_load %arg5[%swap3A_42] {strides = array<i32>} : memref<128xf32, #tpu.memory_space<vmem>>, vector<16xf32>,
    %swap3A_44 = vector.shape_cast %swap3A_43 : vector<16xf32> to vector<16xf32>
    %swap3A_45 = vector.shape_cast %broadcast_in_dim3A_41 : vector<16xf32> to vector<16xf32>
    tpu.vector_store %arg5[%swap3A_42], %swap3A_45 {strides = array<i32>} : memref<128xf32, #tpu.memory_space<vmem>>, vector<16xf32>,
    %scan3A = arith.constant 0 : i32
    %scan3A_46 = arith.constant 0 : i32
    %scan3A_47 = arith.constant 40 : i32
    %scan3A_48 = arith.addi %scan3A_46, %scan3A_47 : i32
    %scan3A_49 = arith.constant 1 : i32
    %scan3A_50 = scf.for %scan3A_159 = %scan3A_46 to %scan3A_48 step %scan3A_49 iter_args(%scan3A_160 = %scan3A) -> (i32)  : i32 {
      %broadcast_in_dim3A_161 = arith.constant 0.000000e+00 : f32
      %broadcast_in_dim3A_162 = vector.broadcast %broadcast_in_dim3A_161 : f32 to vector<16xf32>
      %mul3A_163 = arith.constant 16 : i32
      %mul3A_164 = arith.muli %scan3A_159, %mul3A_163 : i32
      %swap3A_165 = arith.index_cast %mul3A_164 : i32 to index
      %swap3A_166 = tpu.vector_load %arg6[%swap3A_165] {strides = array<i32>} : memref<640xf32, #tpu.memory_space<vmem>>, vector<16xf32>,
      %swap3A_167 = vector.shape_cast %swap3A_166 : vector<16xf32> to vector<16xf32>
      %swap3A_168 = vector.shape_cast %broadcast_in_dim3A_162 : vector<16xf32> to vector<16xf32>
      tpu.vector_store %arg6[%swap3A_165], %swap3A_168 {strides = array<i32>} : memref<640xf32, #tpu.memory_space<vmem>>, vector<16xf32>,
      %scan3A_169 = arith.constant 0 : i32
      scf.yield %scan3A_169 : i32
    }
    %scan3A_51 = arith.constant 40 : i32
    %mul3A = arith.constant 640 : i32
    %mul3A_52 = arith.muli %arg1, %mul3A : i32
    "tpu.region"() ({
      %run_scoped3A = tpu.sem_alloc : memref<!tpu.dma_semaphore, #tpu.memory_space<semaphore_mem>>
      %dma_start3A_159 = tpu.memref_slice %arg7[%mul3A_52] : memref<10240xf32, #tpu.memory_space<vmem_shared>> -> memref<640xf32, #tpu.memory_space<vmem_shared>>
      %dma_start3A_160 = tpu.memref_slice %arg7[%mul3A_52] : memref<10240xf32, #tpu.memory_space<vmem_shared>> -> memref<640xf32, #tpu.memory_space<vmem_shared>>
      tpu.enqueue_dma source(%arg6 : memref<640xf32, #tpu.memory_space<vmem>>) target(%dma_start3A_160 : memref<640xf32, #tpu.memory_space<vmem_shared>>) target_semaphore(%run_scoped3A : memref<!tpu.dma_semaphore, #tpu.memory_space<semaphore_mem>>)
      %dma_wait3A_161 = tpu.memref_slice %arg7[%mul3A_52] : memref<10240xf32, #tpu.memory_space<vmem_shared>> -> memref<640xf32, #tpu.memory_space<vmem_shared>>
      %dma_wait3A_162 = tpu.memref_slice %arg7[%mul3A_52] : memref<10240xf32, #tpu.memory_space<vmem_shared>> -> memref<640xf32, #tpu.memory_space<vmem_shared>>
      tpu.wait_dma2 semaphore(%run_scoped3A : memref<!tpu.dma_semaphore, #tpu.memory_space<semaphore_mem>>) src(%arg6 : memref<640xf32, #tpu.memory_space<vmem>>) dst(%dma_wait3A_162 : memref<640xf32, #tpu.memory_space<vmem_shared>>)
      tpu.yield
    }) : () -> ()
    %barrier3A = arith.constant 0 : index
    tpu.barrier barrier_id(%barrier3A)
    "tpu.region"() ({
      %run_scoped3A = tpu.sem_alloc : memref<!tpu.dma_semaphore, #tpu.memory_space<semaphore_mem>>
      %dma_start3A_159 = arith.constant 0 : i32
      %dma_start3A_160 = arith.constant 0 : i32
      %dma_start3A_161 = tpu.memref_slice %arg2[%arg0, %arg1, %dma_start3A_159, %dma_start3A_160] : memref<2x16x160x128xi32, #tpu.memory_space<hbm>> -> memref<1x1x160x128xi32, #tpu.memory_space<hbm>>
      %dma_start3A_162 = tpu.memref_squeeze %dma_start3A_161 : memref<1x1x160x128xi32, #tpu.memory_space<hbm>> -> memref<160x128xi32, #tpu.memory_space<hbm>>
      %dma_start3A_163 = arith.constant 0 : i32
      %dma_start3A_164 = arith.constant 0 : i32
      %dma_start3A_165 = tpu.memref_slice %arg2[%arg0, %arg1, %dma_start3A_163, %dma_start3A_164] : memref<2x16x160x128xi32, #tpu.memory_space<hbm>> -> memref<1x1x160x128xi32, #tpu.memory_space<hbm>>
      %dma_start3A_166 = tpu.memref_squeeze %dma_start3A_165 : memref<1x1x160x128xi32, #tpu.memory_space<hbm>> -> memref<160x128xi32, #tpu.memory_space<hbm>>
      tpu.enqueue_dma source(%dma_start3A_166 : memref<160x128xi32, #tpu.memory_space<hbm>>) target(%arg4 : memref<160x128xi32, #tpu.memory_space<vmem>>) target_semaphore(%run_scoped3A : memref<!tpu.dma_semaphore, #tpu.memory_space<semaphore_mem>>)
      %dma_wait3A_167 = arith.constant 0 : i32
      %dma_wait3A_168 = arith.constant 0 : i32
      %dma_wait3A_169 = tpu.memref_slice %arg2[%arg0, %arg1, %dma_wait3A_167, %dma_wait3A_168] : memref<2x16x160x128xi32, #tpu.memory_space<hbm>> -> memref<1x1x160x128xi32, #tpu.memory_space<hbm>>
      %dma_wait3A_170 = tpu.memref_squeeze %dma_wait3A_169 : memref<1x1x160x128xi32, #tpu.memory_space<hbm>> -> memref<160x128xi32, #tpu.memory_space<hbm>>
      %dma_wait3A_171 = arith.constant 0 : i32
      %dma_wait3A_172 = arith.constant 0 : i32
      %dma_wait3A_173 = tpu.memref_slice %arg2[%arg0, %arg1, %dma_wait3A_171, %dma_wait3A_172] : memref<2x16x160x128xi32, #tpu.memory_space<hbm>> -> memref<1x1x160x128xi32, #tpu.memory_space<hbm>>
      %dma_wait3A_174 = tpu.memref_squeeze %dma_wait3A_173 : memref<1x1x160x128xi32, #tpu.memory_space<hbm>> -> memref<160x128xi32, #tpu.memory_space<hbm>>
      tpu.wait_dma2 semaphore(%run_scoped3A : memref<!tpu.dma_semaphore, #tpu.memory_space<semaphore_mem>>) src(%dma_wait3A_174 : memref<160x128xi32, #tpu.memory_space<hbm>>) dst(%arg4 : memref<160x128xi32, #tpu.memory_space<vmem>>)
      tpu.yield
    }) : () -> ()
    %dma_start3A = arith.constant 0 : i32
    %dma_start3A_53 = arith.constant 0 : i32
    %dma_start3A_54 = tpu.memref_slice %arg4[%dma_start3A, %dma_start3A_53] : memref<160x128xi32, #tpu.memory_space<vmem>> -> memref<1x128xi32, #tpu.memory_space<vmem>>
    %dma_start3A_55 = tpu.memref_squeeze %dma_start3A_54 : memref<1x128xi32, #tpu.memory_space<vmem>> -> memref<128xi32, #tpu.memory_space<vmem>>
    %dma_start3A_56 = arith.constant 0 : i32
    %dma_start3A_57 = tpu.memref_slice %arg7[%dma_start3A_56] : memref<10240xf32, #tpu.memory_space<vmem_shared>> -> memref<10240xf32, #tpu.memory_space<vmem_shared>>
    tpu.enqueue_indirect_dma source(%arg5 : memref<128xf32, #tpu.memory_space<vmem>>) target(%dma_start3A_57 : memref<10240xf32, #tpu.memory_space<vmem_shared>>) offsets(%dma_start3A_55 : memref<128xi32, #tpu.memory_space<vmem>>) semaphore(%arg8 : memref<!tpu.dma_semaphore, #tpu.memory_space<semaphore_mem>>) {add = true}
    %dma_start3A_58 = arith.constant 1 : i32
    %dma_start3A_59 = arith.constant 0 : i32
    %dma_start3A_60 = tpu.memref_slice %arg4[%dma_start3A_58, %dma_start3A_59] : memref<160x128xi32, #tpu.memory_space<vmem>> -> memref<1x128xi32, #tpu.memory_space<vmem>>
    %dma_start3A_61 = tpu.memref_squeeze %dma_start3A_60 : memref<1x128xi32, #tpu.memory_space<vmem>> -> memref<128xi32, #tpu.memory_space<vmem>>
    %dma_start3A_62 = arith.constant 0 : i32
    %dma_start3A_63 = tpu.memref_slice %arg7[%dma_start3A_62] : memref<10240xf32, #tpu.memory_space<vmem_shared>> -> memref<10240xf32, #tpu.memory_space<vmem_shared>>
    tpu.enqueue_indirect_dma source(%arg5 : memref<128xf32, #tpu.memory_space<vmem>>) target(%dma_start3A_63 : memref<10240xf32, #tpu.memory_space<vmem_shared>>) offsets(%dma_start3A_61 : memref<128xi32, #tpu.memory_space<vmem>>) semaphore(%arg8 : memref<!tpu.dma_semaphore, #tpu.memory_space<semaphore_mem>>) {add = true}
    %dma_start3A_64 = arith.constant 2 : i32
    %dma_start3A_65 = arith.constant 0 : i32
    %dma_start3A_66 = tpu.memref_slice %arg4[%dma_start3A_64, %dma_start3A_65] : memref<160x128xi32, #tpu.memory_space<vmem>> -> memref<1x128xi32, #tpu.memory_space<vmem>>
    %dma_start3A_67 = tpu.memref_squeeze %dma_start3A_66 : memref<1x128xi32, #tpu.memory_space<vmem>> -> memref<128xi32, #tpu.memory_space<vmem>>
    %dma_start3A_68 = arith.constant 0 : i32
    %dma_start3A_69 = tpu.memref_slice %arg7[%dma_start3A_68] : memref<10240xf32, #tpu.memory_space<vmem_shared>> -> memref<10240xf32, #tpu.memory_space<vmem_shared>>
    tpu.enqueue_indirect_dma source(%arg5 : memref<128xf32, #tpu.memory_space<vmem>>) target(%dma_start3A_69 : memref<10240xf32, #tpu.memory_space<vmem_shared>>) offsets(%dma_start3A_67 : memref<128xi32, #tpu.memory_space<vmem>>) semaphore(%arg8 : memref<!tpu.dma_semaphore, #tpu.memory_space<semaphore_mem>>) {add = true}
    %dma_start3A_70 = arith.constant 3 : i32
    %dma_start3A_71 = arith.constant 0 : i32
    %dma_start3A_72 = tpu.memref_slice %arg4[%dma_start3A_70, %dma_start3A_71] : memref<160x128xi32, #tpu.memory_space<vmem>> -> memref<1x128xi32, #tpu.memory_space<vmem>>
    %dma_start3A_73 = tpu.memref_squeeze %dma_start3A_72 : memref<1x128xi32, #tpu.memory_space<vmem>> -> memref<128xi32, #tpu.memory_space<vmem>>
    %dma_start3A_74 = arith.constant 0 : i32
    %dma_start3A_75 = tpu.memref_slice %arg7[%dma_start3A_74] : memref<10240xf32, #tpu.memory_space<vmem_shared>> -> memref<10240xf32, #tpu.memory_space<vmem_shared>>
    tpu.enqueue_indirect_dma source(%arg5 : memref<128xf32, #tpu.memory_space<vmem>>) target(%dma_start3A_75 : memref<10240xf32, #tpu.memory_space<vmem_shared>>) offsets(%dma_start3A_73 : memref<128xi32, #tpu.memory_space<vmem>>) semaphore(%arg8 : memref<!tpu.dma_semaphore, #tpu.memory_space<semaphore_mem>>) {add = true}
    %dma_start3A_76 = arith.constant 4 : i32
    %dma_start3A_77 = arith.constant 0 : i32
    %dma_start3A_78 = tpu.memref_slice %arg4[%dma_start3A_76, %dma_start3A_77] : memref<160x128xi32, #tpu.memory_space<vmem>> -> memref<1x128xi32, #tpu.memory_space<vmem>>
    %dma_start3A_79 = tpu.memref_squeeze %dma_start3A_78 : memref<1x128xi32, #tpu.memory_space<vmem>> -> memref<128xi32, #tpu.memory_space<vmem>>
    %dma_start3A_80 = arith.constant 0 : i32
    %dma_start3A_81 = tpu.memref_slice %arg7[%dma_start3A_80] : memref<10240xf32, #tpu.memory_space<vmem_shared>> -> memref<10240xf32, #tpu.memory_space<vmem_shared>>
    tpu.enqueue_indirect_dma source(%arg5 : memref<128xf32, #tpu.memory_space<vmem>>) target(%dma_start3A_81 : memref<10240xf32, #tpu.memory_space<vmem_shared>>) offsets(%dma_start3A_79 : memref<128xi32, #tpu.memory_space<vmem>>) semaphore(%arg8 : memref<!tpu.dma_semaphore, #tpu.memory_space<semaphore_mem>>) {add = true}
    %dma_start3A_82 = arith.constant 5 : i32
    %dma_start3A_83 = arith.constant 0 : i32
    %dma_start3A_84 = tpu.memref_slice %arg4[%dma_start3A_82, %dma_start3A_83] : memref<160x128xi32, #tpu.memory_space<vmem>> -> memref<1x128xi32, #tpu.memory_space<vmem>>
    %dma_start3A_85 = tpu.memref_squeeze %dma_start3A_84 : memref<1x128xi32, #tpu.memory_space<vmem>> -> memref<128xi32, #tpu.memory_space<vmem>>
    %dma_start3A_86 = arith.constant 0 : i32
    %dma_start3A_87 = tpu.memref_slice %arg7[%dma_start3A_86] : memref<10240xf32, #tpu.memory_space<vmem_shared>> -> memref<10240xf32, #tpu.memory_space<vmem_shared>>
    tpu.enqueue_indirect_dma source(%arg5 : memref<128xf32, #tpu.memory_space<vmem>>) target(%dma_start3A_87 : memref<10240xf32, #tpu.memory_space<vmem_shared>>) offsets(%dma_start3A_85 : memref<128xi32, #tpu.memory_space<vmem>>) semaphore(%arg8 : memref<!tpu.dma_semaphore, #tpu.memory_space<semaphore_mem>>) {add = true}
    %dma_start3A_88 = arith.constant 6 : i32
    %dma_start3A_89 = arith.constant 0 : i32
    %dma_start3A_90 = tpu.memref_slice %arg4[%dma_start3A_88, %dma_start3A_89] : memref<160x128xi32, #tpu.memory_space<vmem>> -> memref<1x128xi32, #tpu.memory_space<vmem>>
    %dma_start3A_91 = tpu.memref_squeeze %dma_start3A_90 : memref<1x128xi32, #tpu.memory_space<vmem>> -> memref<128xi32, #tpu.memory_space<vmem>>
    %dma_start3A_92 = arith.constant 0 : i32
    %dma_start3A_93 = tpu.memref_slice %arg7[%dma_start3A_92] : memref<10240xf32, #tpu.memory_space<vmem_shared>> -> memref<10240xf32, #tpu.memory_space<vmem_shared>>
    tpu.enqueue_indirect_dma source(%arg5 : memref<128xf32, #tpu.memory_space<vmem>>) target(%dma_start3A_93 : memref<10240xf32, #tpu.memory_space<vmem_shared>>) offsets(%dma_start3A_91 : memref<128xi32, #tpu.memory_space<vmem>>) semaphore(%arg8 : memref<!tpu.dma_semaphore, #tpu.memory_space<semaphore_mem>>) {add = true}
    %dma_start3A_94 = arith.constant 7 : i32
    %dma_start3A_95 = arith.constant 0 : i32
    %dma_start3A_96 = tpu.memref_slice %arg4[%dma_start3A_94, %dma_start3A_95] : memref<160x128xi32, #tpu.memory_space<vmem>> -> memref<1x128xi32, #tpu.memory_space<vmem>>
    %dma_start3A_97 = tpu.memref_squeeze %dma_start3A_96 : memref<1x128xi32, #tpu.memory_space<vmem>> -> memref<128xi32, #tpu.memory_space<vmem>>
    %dma_start3A_98 = arith.constant 0 : i32
    %dma_start3A_99 = tpu.memref_slice %arg7[%dma_start3A_98] : memref<10240xf32, #tpu.memory_space<vmem_shared>> -> memref<10240xf32, #tpu.memory_space<vmem_shared>>
    tpu.enqueue_indirect_dma source(%arg5 : memref<128xf32, #tpu.memory_space<vmem>>) target(%dma_start3A_99 : memref<10240xf32, #tpu.memory_space<vmem_shared>>) offsets(%dma_start3A_97 : memref<128xi32, #tpu.memory_space<vmem>>) semaphore(%arg8 : memref<!tpu.dma_semaphore, #tpu.memory_space<semaphore_mem>>) {add = true}
    %scan3A_100 = arith.constant 0 : i32
    %scan3A_101 = arith.constant 8 : i32
    %scan3A_102 = arith.constant 152 : i32
    %scan3A_103 = arith.addi %scan3A_101, %scan3A_102 : i32
    %scan3A_104 = arith.constant 1 : i32
    %scan3A_105 = scf.for %scan3A_159 = %scan3A_101 to %scan3A_103 step %scan3A_104 iter_args(%scan3A_160 = %scan3A_100) -> (i32)  : i32 {
      %dma_wait3A_161 = arith.constant 0 : i32
      %dma_wait3A_162 = arith.constant 0 : i32
      %dma_wait3A_163 = tpu.memref_slice %arg4[%dma_wait3A_161, %dma_wait3A_162] : memref<160x128xi32, #tpu.memory_space<vmem>> -> memref<1x128xi32, #tpu.memory_space<vmem>>
      %dma_wait3A_164 = tpu.memref_squeeze %dma_wait3A_163 : memref<1x128xi32, #tpu.memory_space<vmem>> -> memref<128xi32, #tpu.memory_space<vmem>>
      %dma_wait3A_165 = arith.constant 0 : i32
      %dma_wait3A_166 = tpu.memref_slice %arg7[%dma_wait3A_165] : memref<10240xf32, #tpu.memory_space<vmem_shared>> -> memref<10240xf32, #tpu.memory_space<vmem_shared>>
      tpu.wait_indirect_dma semaphore(%arg8 : memref<!tpu.dma_semaphore, #tpu.memory_space<semaphore_mem>>) src(%arg5 : memref<128xf32, #tpu.memory_space<vmem>>) dst(%dma_wait3A_166 : memref<10240xf32, #tpu.memory_space<vmem_shared>>)
      %dma_start3A_167 = arith.constant 0 : i32
      %dma_start3A_168 = tpu.memref_slice %arg4[%scan3A_159, %dma_start3A_167] : memref<160x128xi32, #tpu.memory_space<vmem>> -> memref<1x128xi32, #tpu.memory_space<vmem>>
      %dma_start3A_169 = tpu.memref_squeeze %dma_start3A_168 : memref<1x128xi32, #tpu.memory_space<vmem>> -> memref<128xi32, #tpu.memory_space<vmem>>
      %dma_start3A_170 = arith.constant 0 : i32
      %dma_start3A_171 = tpu.memref_slice %arg7[%dma_start3A_170] : memref<10240xf32, #tpu.memory_space<vmem_shared>> -> memref<10240xf32, #tpu.memory_space<vmem_shared>>
      tpu.enqueue_indirect_dma source(%arg5 : memref<128xf32, #tpu.memory_space<vmem>>) target(%dma_start3A_171 : memref<10240xf32, #tpu.memory_space<vmem_shared>>) offsets(%dma_start3A_169 : memref<128xi32, #tpu.memory_space<vmem>>) semaphore(%arg8 : memref<!tpu.dma_semaphore, #tpu.memory_space<semaphore_mem>>) {add = true}
      %scan3A_172 = arith.constant 0 : i32
      scf.yield %scan3A_172 : i32
    }
    %scan3A_106 = arith.constant 152 : i32
    %dma_wait3A = arith.constant 0 : i32
    %dma_wait3A_107 = arith.constant 0 : i32
    %dma_wait3A_108 = tpu.memref_slice %arg4[%dma_wait3A, %dma_wait3A_107] : memref<160x128xi32, #tpu.memory_space<vmem>> -> memref<1x128xi32, #tpu.memory_space<vmem>>
    %dma_wait3A_109 = tpu.memref_squeeze %dma_wait3A_108 : memref<1x128xi32, #tpu.memory_space<vmem>> -> memref<128xi32, #tpu.memory_space<vmem>>
    %dma_wait3A_110 = arith.constant 0 : i32
    %dma_wait3A_111 = tpu.memref_slice %arg7[%dma_wait3A_110] : memref<10240xf32, #tpu.memory_space<vmem_shared>> -> memref<10240xf32, #tpu.memory_space<vmem_shared>>
    tpu.wait_indirect_dma semaphore(%arg8 : memref<!tpu.dma_semaphore, #tpu.memory_space<semaphore_mem>>) src(%arg5 : memref<128xf32, #tpu.memory_space<vmem>>) dst(%dma_wait3A_111 : memref<10240xf32, #tpu.memory_space<vmem_shared>>)
    %dma_wait3A_112 = arith.constant 0 : i32
    %dma_wait3A_113 = arith.constant 0 : i32
    %dma_wait3A_114 = tpu.memref_slice %arg4[%dma_wait3A_112, %dma_wait3A_113] : memref<160x128xi32, #tpu.memory_space<vmem>> -> memref<1x128xi32, #tpu.memory_space<vmem>>
    %dma_wait3A_115 = tpu.memref_squeeze %dma_wait3A_114 : memref<1x128xi32, #tpu.memory_space<vmem>> -> memref<128xi32, #tpu.memory_space<vmem>>
    %dma_wait3A_116 = arith.constant 0 : i32
    %dma_wait3A_117 = tpu.memref_slice %arg7[%dma_wait3A_116] : memref<10240xf32, #tpu.memory_space<vmem_shared>> -> memref<10240xf32, #tpu.memory_space<vmem_shared>>
    tpu.wait_indirect_dma semaphore(%arg8 : memref<!tpu.dma_semaphore, #tpu.memory_space<semaphore_mem>>) src(%arg5 : memref<128xf32, #tpu.memory_space<vmem>>) dst(%dma_wait3A_117 : memref<10240xf32, #tpu.memory_space<vmem_shared>>)
    %dma_wait3A_118 = arith.constant 0 : i32
    %dma_wait3A_119 = arith.constant 0 : i32
    %dma_wait3A_120 = tpu.memref_slice %arg4[%dma_wait3A_118, %dma_wait3A_119] : memref<160x128xi32, #tpu.memory_space<vmem>> -> memref<1x128xi32, #tpu.memory_space<vmem>>
    %dma_wait3A_121 = tpu.memref_squeeze %dma_wait3A_120 : memref<1x128xi32, #tpu.memory_space<vmem>> -> memref<128xi32, #tpu.memory_space<vmem>>
    %dma_wait3A_122 = arith.constant 0 : i32
    %dma_wait3A_123 = tpu.memref_slice %arg7[%dma_wait3A_122] : memref<10240xf32, #tpu.memory_space<vmem_shared>> -> memref<10240xf32, #tpu.memory_space<vmem_shared>>
    tpu.wait_indirect_dma semaphore(%arg8 : memref<!tpu.dma_semaphore, #tpu.memory_space<semaphore_mem>>) src(%arg5 : memref<128xf32, #tpu.memory_space<vmem>>) dst(%dma_wait3A_123 : memref<10240xf32, #tpu.memory_space<vmem_shared>>)
    %dma_wait3A_124 = arith.constant 0 : i32
    %dma_wait3A_125 = arith.constant 0 : i32
    %dma_wait3A_126 = tpu.memref_slice %arg4[%dma_wait3A_124, %dma_wait3A_125] : memref<160x128xi32, #tpu.memory_space<vmem>> -> memref<1x128xi32, #tpu.memory_space<vmem>>
    %dma_wait3A_127 = tpu.memref_squeeze %dma_wait3A_126 : memref<1x128xi32, #tpu.memory_space<vmem>> -> memref<128xi32, #tpu.memory_space<vmem>>
    %dma_wait3A_128 = arith.constant 0 : i32
    %dma_wait3A_129 = tpu.memref_slice %arg7[%dma_wait3A_128] : memref<10240xf32, #tpu.memory_space<vmem_shared>> -> memref<10240xf32, #tpu.memory_space<vmem_shared>>
    tpu.wait_indirect_dma semaphore(%arg8 : memref<!tpu.dma_semaphore, #tpu.memory_space<semaphore_mem>>) src(%arg5 : memref<128xf32, #tpu.memory_space<vmem>>) dst(%dma_wait3A_129 : memref<10240xf32, #tpu.memory_space<vmem_shared>>)
    %dma_wait3A_130 = arith.constant 0 : i32
    %dma_wait3A_131 = arith.constant 0 : i32
    %dma_wait3A_132 = tpu.memref_slice %arg4[%dma_wait3A_130, %dma_wait3A_131] : memref<160x128xi32, #tpu.memory_space<vmem>> -> memref<1x128xi32, #tpu.memory_space<vmem>>
    %dma_wait3A_133 = tpu.memref_squeeze %dma_wait3A_132 : memref<1x128xi32, #tpu.memory_space<vmem>> -> memref<128xi32, #tpu.memory_space<vmem>>
    %dma_wait3A_134 = arith.constant 0 : i32
    %dma_wait3A_135 = tpu.memref_slice %arg7[%dma_wait3A_134] : memref<10240xf32, #tpu.memory_space<vmem_shared>> -> memref<10240xf32, #tpu.memory_space<vmem_shared>>
    tpu.wait_indirect_dma semaphore(%arg8 : memref<!tpu.dma_semaphore, #tpu.memory_space<semaphore_mem>>) src(%arg5 : memref<128xf32, #tpu.memory_space<vmem>>) dst(%dma_wait3A_135 : memref<10240xf32, #tpu.memory_space<vmem_shared>>)
    %dma_wait3A_136 = arith.constant 0 : i32
    %dma_wait3A_137 = arith.constant 0 : i32
    %dma_wait3A_138 = tpu.memref_slice %arg4[%dma_wait3A_136, %dma_wait3A_137] : memref<160x128xi32, #tpu.memory_space<vmem>> -> memref<1x128xi32, #tpu.memory_space<vmem>>
    %dma_wait3A_139 = tpu.memref_squeeze %dma_wait3A_138 : memref<1x128xi32, #tpu.memory_space<vmem>> -> memref<128xi32, #tpu.memory_space<vmem>>
    %dma_wait3A_140 = arith.constant 0 : i32
    %dma_wait3A_141 = tpu.memref_slice %arg7[%dma_wait3A_140] : memref<10240xf32, #tpu.memory_space<vmem_shared>> -> memref<10240xf32, #tpu.memory_space<vmem_shared>>
    tpu.wait_indirect_dma semaphore(%arg8 : memref<!tpu.dma_semaphore, #tpu.memory_space<semaphore_mem>>) src(%arg5 : memref<128xf32, #tpu.memory_space<vmem>>) dst(%dma_wait3A_141 : memref<10240xf32, #tpu.memory_space<vmem_shared>>)
    %dma_wait3A_142 = arith.constant 0 : i32
    %dma_wait3A_143 = arith.constant 0 : i32
    %dma_wait3A_144 = tpu.memref_slice %arg4[%dma_wait3A_142, %dma_wait3A_143] : memref<160x128xi32, #tpu.memory_space<vmem>> -> memref<1x128xi32, #tpu.memory_space<vmem>>
    %dma_wait3A_145 = tpu.memref_squeeze %dma_wait3A_144 : memref<1x128xi32, #tpu.memory_space<vmem>> -> memref<128xi32, #tpu.memory_space<vmem>>
    %dma_wait3A_146 = arith.constant 0 : i32
    %dma_wait3A_147 = tpu.memref_slice %arg7[%dma_wait3A_146] : memref<10240xf32, #tpu.memory_space<vmem_shared>> -> memref<10240xf32, #tpu.memory_space<vmem_shared>>
    tpu.wait_indirect_dma semaphore(%arg8 : memref<!tpu.dma_semaphore, #tpu.memory_space<semaphore_mem>>) src(%arg5 : memref<128xf32, #tpu.memory_space<vmem>>) dst(%dma_wait3A_147 : memref<10240xf32, #tpu.memory_space<vmem_shared>>)
    %dma_wait3A_148 = arith.constant 0 : i32
    %dma_wait3A_149 = arith.constant 0 : i32
    %dma_wait3A_150 = tpu.memref_slice %arg4[%dma_wait3A_148, %dma_wait3A_149] : memref<160x128xi32, #tpu.memory_space<vmem>> -> memref<1x128xi32, #tpu.memory_space<vmem>>
    %dma_wait3A_151 = tpu.memref_squeeze %dma_wait3A_150 : memref<1x128xi32, #tpu.memory_space<vmem>> -> memref<128xi32, #tpu.memory_space<vmem>>
    %dma_wait3A_152 = arith.constant 0 : i32
    %dma_wait3A_153 = tpu.memref_slice %arg7[%dma_wait3A_152] : memref<10240xf32, #tpu.memory_space<vmem_shared>> -> memref<10240xf32, #tpu.memory_space<vmem_shared>>
    tpu.wait_indirect_dma semaphore(%arg8 : memref<!tpu.dma_semaphore, #tpu.memory_space<semaphore_mem>>) src(%arg5 : memref<128xf32, #tpu.memory_space<vmem>>) dst(%dma_wait3A_153 : memref<10240xf32, #tpu.memory_space<vmem_shared>>)
    %barrier3A_154 = arith.constant 0 : index
    tpu.barrier barrier_id(%barrier3A_154)
    %mul3A_155 = arith.constant 640 : i32
    %mul3A_156 = arith.muli %arg1, %mul3A_155 : i32
    "tpu.region"() ({
      %run_scoped3A = tpu.sem_alloc : memref<!tpu.dma_semaphore, #tpu.memory_space<semaphore_mem>>
      %dma_start3A_159 = tpu.memref_slice %arg7[%mul3A_156] : memref<10240xf32, #tpu.memory_space<vmem_shared>> -> memref<640xf32, #tpu.memory_space<vmem_shared>>
      %dma_start3A_160 = tpu.memref_slice %arg7[%mul3A_156] : memref<10240xf32, #tpu.memory_space<vmem_shared>> -> memref<640xf32, #tpu.memory_space<vmem_shared>>
      tpu.enqueue_dma source(%dma_start3A_160 : memref<640xf32, #tpu.memory_space<vmem_shared>>) target(%arg6 : memref<640xf32, #tpu.memory_space<vmem>>) target_semaphore(%run_scoped3A : memref<!tpu.dma_semaphore, #tpu.memory_space<semaphore_mem>>)
      %dma_wait3A_161 = tpu.memref_slice %arg7[%mul3A_156] : memref<10240xf32, #tpu.memory_space<vmem_shared>> -> memref<640xf32, #tpu.memory_space<vmem_shared>>
      %dma_wait3A_162 = tpu.memref_slice %arg7[%mul3A_156] : memref<10240xf32, #tpu.memory_space<vmem_shared>> -> memref<640xf32, #tpu.memory_space<vmem_shared>>
      tpu.wait_dma2 semaphore(%run_scoped3A : memref<!tpu.dma_semaphore, #tpu.memory_space<semaphore_mem>>) src(%dma_wait3A_162 : memref<640xf32, #tpu.memory_space<vmem_shared>>) dst(%arg6 : memref<640xf32, #tpu.memory_space<vmem>>)
      tpu.yield
    }) : () -> ()
    %mul3A_157 = arith.constant 640 : i32
    %mul3A_158 = arith.muli %arg1, %mul3A_157 : i32
    "tpu.region"() ({
      %run_scoped3A = tpu.sem_alloc : memref<!tpu.dma_semaphore, #tpu.memory_space<semaphore_mem>>
      %dma_start3A_159 = tpu.memref_slice %arg3[%arg0, %mul3A_158] : memref<2x10240xf32, #tpu.memory_space<hbm>> -> memref<1x640xf32, #tpu.memory_space<hbm>>
      %dma_start3A_160 = tpu.memref_squeeze %dma_start3A_159 : memref<1x640xf32, #tpu.memory_space<hbm>> -> memref<640xf32, #tpu.memory_space<hbm>>
      %dma_start3A_161 = tpu.memref_slice %arg3[%arg0, %mul3A_158] : memref<2x10240xf32, #tpu.memory_space<hbm>> -> memref<1x640xf32, #tpu.memory_space<hbm>>
      %dma_start3A_162 = tpu.memref_squeeze %dma_start3A_161 : memref<1x640xf32, #tpu.memory_space<hbm>> -> memref<640xf32, #tpu.memory_space<hbm>>
      tpu.enqueue_dma source(%arg6 : memref<640xf32, #tpu.memory_space<vmem>>) target(%dma_start3A_162 : memref<640xf32, #tpu.memory_space<hbm>>) target_semaphore(%run_scoped3A : memref<!tpu.dma_semaphore, #tpu.memory_space<semaphore_mem>>)
      %dma_wait3A_163 = tpu.memref_slice %arg3[%arg0, %mul3A_158] : memref<2x10240xf32, #tpu.memory_space<hbm>> -> memref<1x640xf32, #tpu.memory_space<hbm>>
      %dma_wait3A_164 = tpu.memref_squeeze %dma_wait3A_163 : memref<1x640xf32, #tpu.memory_space<hbm>> -> memref<640xf32, #tpu.memory_space<hbm>>
      %dma_wait3A_165 = tpu.memref_slice %arg3[%arg0, %mul3A_158] : memref<2x10240xf32, #tpu.memory_space<hbm>> -> memref<1x640xf32, #tpu.memory_space<hbm>>
      %dma_wait3A_166 = tpu.memref_squeeze %dma_wait3A_165 : memref<1x640xf32, #tpu.memory_space<hbm>> -> memref<640xf32, #tpu.memory_space<hbm>>
      tpu.wait_dma2 semaphore(%run_scoped3A : memref<!tpu.dma_semaphore, #tpu.memory_space<semaphore_mem>>) src(%arg6 : memref<640xf32, #tpu.memory_space<vmem>>) dst(%dma_wait3A_166 : memref<640xf32, #tpu.memory_space<hbm>>)
      tpu.yield
    }) : () -> ()
    return
  }
}

module attributes {stable_mosaic.version = 14 : i64} {
  func.func @_scale_body(%arg0: i32, %arg1: memref<2000x128xf32, #tpu.memory_space<vmem>>, %arg2: memref<2000x1xf32, #tpu.memory_space<vmem>>, %arg3: memref<2000x1xf32, #tpu.memory_space<vmem>>, %arg4: memref<2000x128xf32, #tpu.memory_space<vmem>>) attributes {dimension_semantics = [#tpu.dimension_semantics<arbitrary>], iteration_bounds = array<i64: 5>, scalar_prefetch = 0 : i64, scratch_operands = 0 : i64, tpu.core_type = #tpu.core_type<tc>, window_params = [{transform_indices = @transform_0, window_bounds = array<i64: 2000, 128>}, {transform_indices = @transform_1, window_bounds = array<i64: 2000, 1>}, {transform_indices = @transform_2, window_bounds = array<i64: 2000, 1>}, {transform_indices = @transform_3, window_bounds = array<i64: 2000, 128>}]} {
    %get3A = arith.constant 0 : index
    %get3A_0 = arith.constant 0 : index
    %get3A_1 = vector.load %arg2[%get3A, %get3A_0] : memref<2000x1xf32, #tpu.memory_space<vmem>>, vector<2000x1xf32>
    %get3A_2 = arith.constant 0 : index
    %get3A_3 = arith.constant 0 : index
    %get3A_4 = vector.load %arg3[%get3A_2, %get3A_3] : memref<2000x1xf32, #tpu.memory_space<vmem>>, vector<2000x1xf32>
    %sub3A = arith.subf %get3A_1, %get3A_4 : vector<2000x1xf32>
    %max3A = arith.constant 1.000000e+00 : f32
    %max3A_5 = vector.broadcast %max3A : f32 to vector<2000x1xf32>
    %max3A_6 = arith.maximumf %sub3A, %max3A_5 : vector<2000x1xf32>
    %rsqrt3A = math.rsqrt %max3A_6 : vector<2000x1xf32>
    %get3A_7 = arith.constant 0 : index
    %get3A_8 = arith.constant 0 : index
    %get3A_9 = vector.load %arg1[%get3A_7, %get3A_8] : memref<2000x128xf32, #tpu.memory_space<vmem>>, vector<2000x128xf32>
    %mul3A = vector.broadcast %rsqrt3A : vector<2000x1xf32> to vector<2000x128xf32>
    %mul3A_10 = arith.mulf %get3A_9, %mul3A : vector<2000x128xf32>
    %swap3A = arith.constant 0 : index
    %swap3A_11 = arith.constant 0 : index
    %swap3A_12 = vector.load %arg4[%swap3A, %swap3A_11] : memref<2000x128xf32, #tpu.memory_space<vmem>>, vector<2000x128xf32>
    tpu.vector_store %arg4[%swap3A, %swap3A_11], %mul3A_10 {strides = array<i32>} : memref<2000x128xf32, #tpu.memory_space<vmem>>, vector<2000x128xf32>,
    return
  }
  func.func @transform_0(%arg0: i32) -> (i32, i32) {
    %c0_i32 = arith.constant 0 : i32
    %c0_i32_0 = arith.constant 0 : i32
    return %arg0, %c0_i32 : i32, i32
  }
  func.func @transform_1(%arg0: i32) -> (i32, i32) {
    %c0_i32 = arith.constant 0 : i32
    %c0_i32_0 = arith.constant 0 : i32
    return %arg0, %c0_i32 : i32, i32
  }
  func.func @transform_2(%arg0: i32) -> (i32, i32) {
    %c0_i32 = arith.constant 0 : i32
    %c0_i32_0 = arith.constant 0 : i32
    return %arg0, %c0_i32 : i32, i32
  }
  func.func @transform_3(%arg0: i32) -> (i32, i32) {
    %c0_i32 = arith.constant 0 : i32
    %c0_i32_0 = arith.constant 0 : i32
    return %arg0, %c0_i32 : i32, i32
  }
}

module attributes {stable_mosaic.version = 14 : i64} {
  func.func @_combine_body(%arg0: i32, %arg1: memref<1x5000x128xf32, #tpu.memory_space<vmem>>, %arg2: memref<1x5000x128xf32, #tpu.memory_space<vmem>>, %arg3: memref<5000x1xf32, #tpu.memory_space<vmem>>, %arg4: memref<5000x128xf32, #tpu.memory_space<vmem>>) attributes {dimension_semantics = [#tpu.dimension_semantics<arbitrary>], iteration_bounds = array<i64: 2>, scalar_prefetch = 0 : i64, scratch_operands = 0 : i64, tpu.core_type = #tpu.core_type<tc>, window_params = [{transform_indices = @transform_0, window_bounds = array<i64: 1, 5000, 128>}, {transform_indices = @transform_1, window_bounds = array<i64: 1, 5000, 128>}, {transform_indices = @transform_2, window_bounds = array<i64: 5000, 1>}, {transform_indices = @transform_3, window_bounds = array<i64: 5000, 128>}]} {
    %get3A = arith.constant 0 : index
    %get3A_0 = arith.constant 0 : index
    %get3A_1 = vector.load %arg3[%get3A, %get3A_0] : memref<5000x1xf32, #tpu.memory_space<vmem>>, vector<5000x1xf32>
    %max3A = arith.constant 1.000000e+00 : f32
    %max3A_2 = vector.broadcast %max3A : f32 to vector<5000x1xf32>
    %max3A_3 = arith.maximumf %get3A_1, %max3A_2 : vector<5000x1xf32>
    %rsqrt3A = math.rsqrt %max3A_3 : vector<5000x1xf32>
    %get3A_4 = arith.constant 0 : index
    %get3A_5 = arith.constant 0 : index
    %get3A_6 = arith.constant 0 : index
    %get3A_7 = vector.load %arg1[%get3A_4, %get3A_5, %get3A_6] : memref<1x5000x128xf32, #tpu.memory_space<vmem>>, vector<1x5000x128xf32>
    %get3A_8 = vector.shape_cast %get3A_7 : vector<1x5000x128xf32> to vector<5000x128xf32>
    %get3A_9 = arith.constant 0 : index
    %get3A_10 = arith.constant 0 : index
    %get3A_11 = arith.constant 0 : index
    %get3A_12 = vector.load %arg2[%get3A_9, %get3A_10, %get3A_11] : memref<1x5000x128xf32, #tpu.memory_space<vmem>>, vector<1x5000x128xf32>
    %get3A_13 = vector.shape_cast %get3A_12 : vector<1x5000x128xf32> to vector<5000x128xf32>
    %add3A = arith.addf %get3A_8, %get3A_13 : vector<5000x128xf32>
    %mul3A = vector.broadcast %rsqrt3A : vector<5000x1xf32> to vector<5000x128xf32>
    %mul3A_14 = arith.mulf %add3A, %mul3A : vector<5000x128xf32>
    %swap3A = arith.constant 0 : index
    %swap3A_15 = arith.constant 0 : index
    %swap3A_16 = vector.load %arg4[%swap3A, %swap3A_15] : memref<5000x128xf32, #tpu.memory_space<vmem>>, vector<5000x128xf32>
    tpu.vector_store %arg4[%swap3A, %swap3A_15], %mul3A_14 {strides = array<i32>} : memref<5000x128xf32, #tpu.memory_space<vmem>>, vector<5000x128xf32>,
    return
  }
  func.func @transform_0(%arg0: i32) -> (i32, i32, i32) {
    %c0_i32 = arith.constant 0 : i32
    %c0_i32_0 = arith.constant 0 : i32
    %c0_i32_1 = arith.constant 0 : i32
    return %c0_i32, %arg0, %c0_i32_0 : i32, i32, i32
  }
  func.func @transform_1(%arg0: i32) -> (i32, i32, i32) {
    %c1_i32 = arith.constant 1 : i32
    %c0_i32 = arith.constant 0 : i32
    %c0_i32_0 = arith.constant 0 : i32
    return %c1_i32, %arg0, %c0_i32 : i32, i32, i32
  }
  func.func @transform_2(%arg0: i32) -> (i32, i32) {
    %c0_i32 = arith.constant 0 : i32
    %c0_i32_0 = arith.constant 0 : i32
    return %arg0, %c0_i32 : i32, i32
  }
  func.func @transform_3(%arg0: i32) -> (i32, i32) {
    %c0_i32 = arith.constant 0 : i32
    %c0_i32_0 = arith.constant 0 : i32
    return %arg0, %c0_i32 : i32, i32
  }
}

</mosaic_0001>

<sc_bundles>
// kernel: kernel.6.cloned.1.call-start
scs
__scs_entry_jumppad:
0x0: {  	(pc) =	sbr.rel $0x88, $3  }
0x1: {  	(tag) =	ssettag $0x0;
	lr =	simm.s32 $0x1  }
0x2: {  	[smem:$0x3F9E] =	sst lr;
	_ =	strace $0xD0000000  }
0x3: {  	_ = 	snop  }
0x4: {  	_ = 	snop  }
0x5: {  	_ = 	snop  }
0x6: {  	_ = 	snop  }
0x7: {  	_ = 	snop  }
__scs_overlays_trampoline_lowered:
0x8: {  	[smem:$0x3FAD] =	sst s0  }
0x9: {  	[smem:$0x3FAE] =	sst s1  }
0xa: {  	[smem:$0x3FAF] =	sst s2  }
0xb: {  	[smem:$0x3FB0] =	sst s3  }
0xc: {  	[smem:$0x3FB1] =	sst s4  }
0xd: {  	[smem:$0x3FB2] =	sst s5  }
0xe: {  	[smem:$0x3FB3] =	sst s6  }
0xf: {  	[smem:$0x3FB4] =	sst s7  }
0x10: {  	[smem:$0x3FB5] =	sst s8  }
0x11: {  	[smem:$0x3FB6] =	sst s9;
	s0 =	simm.s32 @!p0 $0x0  }
0x12: {  	s1 =	sld [smem:$0x3F9C];
	s0 =	simm.s32 @p0 $0x1  }
0x13: {  	[smem:$0x3FB7] =	sst s0;
	s0 =	simm.s32 @!p1 $0x0  }
0x14: {  	s2 =	sld [smem:$0x3F9B];
	s0 =	simm.s32 @p1 $0x1  }
0x15: {  	[smem:$0x3FB8] =	sst s0;
	s0 =	simm.s32 @!p2 $0x0  }
0x16: {  	s3 =	sld [smem:$0x3FDB];
	s0 =	simm.s32 @p2 $0x1  }
0x17: {  	s4 =	simm.s32 $0x1BF5;
	[smem:$0x3FBA] =	sst s0  }
0x18: {  	s0 =	sld [smem:$0x3F9D];
	_ =	swait.ge [sflag:s4], $0x0  }
0x19: {  	s7 =	sld [smem:$0x3F9E]  }
0x1a: {  	s8 =	sadd.s32 $0xFFFFE003, lr  }
0x1b: {  	s9 =	sadd.s32 $0xFFFFFEF7, lr;
	s5 =	simm.s32 $0xFFFFFFFF;
	p2 =	slt.u32 s8, $0xFFFFF086  }
0x1c: {  	p1 =	slt.u32 s9, $0xF7A;
	s5 =	simm.s32 @!p2 $0x0  }
0x1d: {  	s5 =	simm.s32 @p1 $0x1;
	p0 =	seq.s32 s7, s2  }
0x1e: {  	s7 =	smul.u32 @!p0 $0xF7A, s2;
	p2 =	seq.s32 @!p0 s5, $0x0  }
0x1f: {  	s9 =	smul.u32 $0xF7A, s1;
	s8 =	simm.s32 @!p0 $0x1BF5;
	p2 =	por !p2, p0  }
0x20: {  	[sflag:s8] =	ssyncset.s32 @!p0 $0xFFFFF086;
	s6 =	sadd.s32 @!p0 s3, s7;
	s7 =	simm.s32 @!p0 $0x108  }
0x21: {  	s3 =	sadd.s32 s3, s9;
	s6 =	sadd.s32 @!p0 $0x88, s6;
	s7 =	simm.s32 @p2 $0x1082  }
0x22: {  	[simem:s7], [sflag:s8] =	dma.local @!p0 [hbm:s6], $0xF7A  }
0x23: {  	s9 =	sor.u32 $0xD0000000, s2;
	s6 =	simm.s32 $0x108;
	_ =	swait.ge @!p0 [sflag:s8], $0x0  }
0x24: {  	s3 =	sadd.s32 $0x88, s3;
	s6 =	simm.s32 @!p1 $0x1082;
	[sflag:s4] =	ssyncset.s32 $0xFFFFF086  }
0x25: {  	[simem:s6], [sflag:s4] =	dma.local [hbm:s3], $0xF7A  }
0x26: {  	[smem:$0x3F9E] =	sst s1;
	(tag) =	ssettag s2;
	_ =	strace s9  }
0x27: {  	s1 =	sld [smem:$0x3FAE]  }
0x28: {  	s2 =	sld [smem:$0x3FAF]  }
0x29: {  	s4 =	sld [smem:$0x3FB1]  }
0x2a: {  	p0 =	seq.s32 s5, $0x0;
	s5 =	sld [smem:$0x3FB2]  }
0x2b: {  	s6 =	sld [smem:$0x3FB3]  }
0x2c: {  	s7 =	sld [smem:$0x3FB4]  }
0x2d: {  	s3 =	simm.s32 $0x108;
	s8 =	sld [smem:$0x3FB5]  }
0x2e: {  	s3 =	simm.s32 @!p0 $0x1082;
	s9 =	sld [smem:$0x3FB6]  }
0x2f: {  	lr =	sadd.s32 s0, s3;
	s0 =	sld [smem:$0x3FAD]  }
0x30: {  	s3 =	sld [smem:$0x3FB0]  }
0x31: {  	[smem:$0x3FB9] =	sst s10  }
0x32: {  	s10 =	sld [smem:$0x3FB7];
	_ =	sdelay $0x3  }
0x33: {  	p0 =	seq.s32 s10, $0x1;
	s10 =	sld [smem:$0x3FB9];
	_ =	sdelay $0x3  }
0x34: {  	[smem:$0x3FB9] =	sst s10  }
0x35: {  	s10 =	sld [smem:$0x3FB8];
	_ =	sdelay $0x3  }
0x36: {  	p1 =	seq.s32 s10, $0x1;
	s10 =	sld [smem:$0x3FB9];
	_ =	sdelay $0x3  }
0x37: {  	[smem:$0x3FB9] =	sst s10  }
0x38: {  	s10 =	sld [smem:$0x3FBA]  }
0x39: {  	_ = 	snop;
	(pc) =	sbr.ind lr, $3  }
0x3a: {  	_ = 	snop  }
0x3b: {  	_ = 	snop  }
0x3c: {  	p2 =	seq.s32 s10, $0x1;
	s10 =	sld [smem:$0x3FB9]  }
0x3d: {  	_ =	shalt  }
0x3e: {  	_ =	shalt  }
0x3f: {  	_ =	shalt  }
0x40: {  	_ =	shalt  }
0x41: {  	_ =	shalt  }
0x42: {  	_ =	shalt  }
0x43: {  	_ =	shalt  }
0x44: {  	_ =	shalt  }
0x45: {  	_ =	shalt  }
0x46: {  	_ =	shalt  }
0x47: {  	_ =	shalt  }
0x48: {  	_ =	shalt  }
0x49: {  	_ =	shalt  }
0x4a: {  	_ =	shalt  }
0x4b: {  	_ =	shalt  }
0x4c: {  	_ =	shalt  }
0x4d: {  	_ =	shalt  }
0x4e: {  	_ =	shalt  }
0x4f: {  	_ =	shalt  }
0x50: {  	_ =	shalt  }
0x51: {  	_ =	shalt  }
0x52: {  	_ =	shalt  }
0x53: {  	_ =	shalt  }
0x54: {  	_ =	shalt  }
0x55: {  	_ =	shalt  }
0x56: {  	_ =	shalt  }
0x57: {  	_ =	shalt  }
0x58: {  	_ =	shalt  }
0x59: {  	_ =	shalt  }
0x5a: {  	_ =	shalt  }
0x5b: {  	_ =	shalt  }
0x5c: {  	_ =	shalt  }
0x5d: {  	_ =	shalt  }
0x5e: {  	_ =	shalt  }
0x5f: {  	_ =	shalt  }
0x60: {  	_ =	shalt  }
0x61: {  	_ =	shalt  }
0x62: {  	_ =	shalt  }
0x63: {  	_ =	shalt  }
0x64: {  	_ =	shalt  }
0x65: {  	_ =	shalt  }
0x66: {  	_ =	shalt  }
0x67: {  	_ =	shalt  }
0x68: {  	_ =	shalt  }
0x69: {  	_ =	shalt  }
0x6a: {  	_ =	shalt  }
0x6b: {  	_ =	shalt  }
0x6c: {  	_ =	shalt  }
0x6d: {  	_ =	shalt  }
0x6e: {  	_ =	shalt  }
0x6f: {  	_ =	shalt  }
0x70: {  	_ =	shalt  }
0x71: {  	_ =	shalt  }
0x72: {  	_ =	shalt  }
0x73: {  	_ =	shalt  }
0x74: {  	_ =	shalt  }
0x75: {  	_ =	shalt  }
0x76: {  	_ =	shalt  }
0x77: {  	_ =	shalt  }
0x78: {  	_ =	shalt  }
0x79: {  	_ =	shalt  }
0x7a: {  	_ =	shalt  }
0x7b: {  	_ =	shalt  }
0x7c: {  	_ =	shalt  }
0x7d: {  	_ =	shalt  }
0x7e: {  	_ =	shalt  }
0x7f: {  	_ =	shalt  }
0x80: {  	_ =	shalt  }
0x81: {  	_ =	shalt  }
0x82: {  	_ =	shalt  }
0x83: {  	_ =	shalt  }
0x84: {  	_ =	shalt  }
0x85: {  	_ =	shalt  }
0x86: {  	_ =	shalt  }
0x87: {  	_ =	shalt  }
.Lfunc_end0:
.L_simem_size_0:
called_computation_lowered:
.L_overlay_start_0:
0x88: {  	s2 =	sld [smem:$0x3FD9]  }
0x89: {  	s3 =	sld [smem:$0x3FFE];
	_ =	sdelay $0x1  }
0x8a: {  	s1 =	srdreg.scid  }
0x8b: {  	s0 =	sand.u32 $0x1, s1  }
0x8c: {  	s17 =	sshll.u32 s0, $0xA;
	s2 =	sadd.s32 s3, s2  }
0x8d: {  	s2 =	sadd.s32 s2, s17  }
0x8e: {  	[smem:$0x3FC5] =	sst s2  }
0x8f: {  	_ = 	snop  }
0x90: {  	s2 =	sld [smem:$0x3FD0];
	(tm) =	ssettm $0x1  }
0x91: {  	s18 =	sld [smem:$0x3FFB];
	_ =	sdelay $0x3  }
0x92: {  	_ =	strace s18  }
0x93: {  	s3 =	sld [smem:$0x3FFC];
	_ =	sdelay $0x3  }
0x94: {  	_ =	strace s3  }
0x95: {  	s3 =	sld [smem:$0x3FFD];
	_ =	sdelay $0x3  }
0x96: {  	_ =	strace s3  }
0x97: {  	_ =	strace $0x8FFFFFFF  }
0x98: {  	s19 =	sld [smem:$0x3FDB];
	_ =	sdelay $0x1  }
0x99: {  	s4 =	simm.s32 $_scs_section_size  }
0x9a: {  	s5 =	simm.s32 $_size__tile_overlayer_lowered;
	s6 =	simm.s32 $_tile_overlayer_lowered  }
0x9b: {  	s22 =	simm.s32 $0x1BFF;
	s21 =	sshll.u32 s6, $0x1;
	s3 =	sadd.s32 s4, s19  }
0x9c: {  	s7 =	simm.s32 $0x0;
	s20 =	sshll.u32 s5, $0x1;
	s5 =	sadd.s32 s21, s3  }
0x9d: {  	[timem:s7], [sflag:s22] =	dma.local [hbm:s5], s20  }
0x9e: {  	_ =	swait.ge [sflag:s22], s20  }
0x9f: {  	s4 =	ssub.s32 $0x0, s20;
	[sflag:s22] =	ssyncset.done $0x0  }
0xa0: {  	[sflag:s22] =	ssyncadd.s32 s4;
	_ =	sdelay $0x1  }
0xa1: {  	s23 =	simm.s32 $0x1B8B  }
0xa2: {  	_ =	swait.ge [sflag:s23], $0x1  }
0xa3: {  	[sflag:s23] =	ssyncset.done $0x0  }
0xa4: {  	s25 =	simm.s32 $0x1B8E;
	s24 =	sld [smem:$0x3FFE];
	[sflag:s23] =	ssyncadd.s32 $0xFFFFFFFF  }
0xa5: {  	s26 =	simm.s32 $execute0_lowered;
	[smem:$0x3FD2] =	sst s25  }
0xa6: {  	s5 =	sshll.u32 s26, $0x1;
	_ =	strace $0x80000046;
	[dreg:$0x1] =	wrdreg $0xFFFFFFFF  }
0xa7: {  	s28 =	simm.s32 $_size_execute0_lowered;
	s3 =	sadd.s32 s3, s5;
	[dreg:$0x0] =	wrdreg $0x0  }
0xa8: {  	s5 =	sshll.u32 s28, $0x1;
	[dreg:$0x2] =	wrdreg s3  }
0xa9: {  	[dreg:$0x3] =	wrdreg s5  }
0xaa: {  	[dreg:$0x4] =	wrdreg $0xC0  }
0xab: {  	_ =	task [dreg:s7], $0x5FFFF  }
0xac: {  	[dreg:$0x1] =	wrdreg $0xFFFFFFFF  }
0xad: {  	[dreg:$0x0] =	wrdreg $0x60  }
0xae: {  	[dreg:$0x2] =	wrdreg s2  }
0xaf: {  	[dreg:$0x3] =	wrdreg s24  }
0xb0: {  	[dreg:$0x4] =	wrdreg $0x53000  }
0xb1: {  	[dreg:$0x5] =	wrdreg $0x9  }
0xb2: {  	_ =	task.clear_ibuf [dreg:s7], $0x6FFFF;
	_ =	strace $0x90000046  }
0xb3: {  	s29 =	simm.s32 $0x9;
	_ =	strace $0x80000048  }
0xb4: {  	_ =	swait.ge [sflag:s29], $0x1  }
0xb5: {  	[sflag:s29] =	ssyncadd.s32 $0xFFFFFFFF  }
0xb6: {  	_ =	strace $0x90000048  }
0xb7: {  	_ =	sfence  }
0xb8: {  	s30 =	sld [smem:$0x0];
	_ =	sdelay $0x2  }
0xb9: {  	s31 =	sshll.u32 s1, $0xD;
	s1 =	sshrl.u32 s1, $0x2  }
0xba: {  	s3 =	sand.u32 $0x4000, s31;
	s1 =	sadd.s32 s1, s30  }
0xbb: {  	s0 =	sor.u32 s3, s0;
	s1 =	sshll.u32 s1, $0x11  }
0xbc: {  	s0 =	sor.u32 s1, s0  }
0xbd: {  	s0 =	sadd.s32 $0x8F2B, s0  }
0xbe: {  	[sflag:s0] =	ssyncadd.remote.s32 $0x1  }
0xbf: {  	_ =	sfence.sel $0xFFFF  }
0xc0: {  	[dreg:$0x0] =	wrdreg $0xFFFFFFFF;
	(pc) =	sbr.abs _section_cstart, $3  }
0xc1: {  	[dreg:$0x1] =	wrdreg $0xFFFFFFFF  }
0xc2: {  	_ =	task.clear_ibuf [dreg:s7], $0x2FFFF;
	_ =	strace $0x9FFFFFFF  }
0xc3: {  	(tm) =	ssettm $0x7FFFFFFF  }
tec
execute0_lowered:
.L_overlay_start_1:
0x0: {  	(tag) =	ssettag $0x1  }
0x1: {  	s5 =	rddreg [dreg:$0x0]  }
0x2: {  	s4 =	rddreg [dreg:$0x1]  }
0x3: {  	s1 =	srdreg.scid;
	s0 =	stileid.u32  }
0x4: {  	s2 =	rddreg [dreg:$0x2];
	s3 =	simm.s32 $0x0;
	s11 =	simm.s32 $0x5000  }
0x5: {  	s12 =	simm.s32 $0x100;
	s13 =	simm.s32 $0x180;
	s14 =	simm.s32 $0x200  }
0x6: {  	s15 =	simm.s32 $0x280;
	s16 =	simm.s32 $0x300;
	s17 =	simm.s32 $0x380  }
0x7: {  	s18 =	simm.s32 $0x1;
	s19 =	simm.s32 $0x0;
	s7 =	smul.u32 $0x500, s0  }
0x8: {  	s6 =	sand.u32 $0x1, s1;
	s1 =	rddreg [dreg:$0x3];
	s9 =	smul.u32 $0xA00, s0  }
0x9: {  	[smem:$0x7FF] =	sst s3;
	s10 =	smul.u32 $0x5000, s0;
	s8 =	sshll.u32 s6, $0x7  }
0xa: {  	s28 =	smul.u32 $0x50000, s6;
	_ =	strace $0x80000047;
	s29 =	ssub.s32 $0x2, s6  }
0xb: {  	s7 =	sor.u32 s8, s7;
	s6 =	sshrl.u32 s29, $0x1;
	s9 =	sshrl.u32 s9, $0x2  }
0xc: {  	s7 =	sshrl.u32 s7, $0x3;
	s8 =	sadd.s32 s10, s28;
	s30 =	ssub.s32 s29, s6  }
0xd: {  	s10 =	simm.s32 $0x80;
	s7 =	sadd.s32 s7, s4;
	s4 =	sadd.s32 s9, s2  }
0xe: {  	s31 =	sshrl.u32 s8, $0x3;
	s8 =	simm.s32 $0x5080;
	s9 =	simm.s32 $0x2  }
0xf: {  	v0 =	vimm.f32 $1.000000000e+00;
	v1 =	vimm.f32 $0.0e+00;
	s5 =	sadd.s32 s5, s31;
	s6 =	sadd.s32 $0x2000, s7;
	s7 =	smax.u32 s30, $0x1  }
.LBB2_1:
0x10: {  	[tilespmem:$0x5000] =	vst v0  }
0x11: {  	[tilespmem:$0x5010] =	vst v0  }
0x12: {  	[tilespmem:$0x5020] =	vst v0  }
0x13: {  	[tilespmem:$0x5030] =	vst v0  }
0x14: {  	[tilespmem:$0x5040] =	vst v0  }
0x15: {  	[tilespmem:$0x5050] =	vst v0  }
0x16: {  	[tilespmem:$0x5060] =	vst v0  }
0x17: {  	[tilespmem:$0x5070] =	vst v0  }
0x18: {  	[tilespmem:$0x5080] =	vst v1  }
0x19: {  	[tilespmem:$0x5090] =	vst v1  }
0x1a: {  	[tilespmem:$0x50A0] =	vst v1  }
0x1b: {  	[tilespmem:$0x50B0] =	vst v1  }
0x1c: {  	[tilespmem:$0x50C0] =	vst v1  }
0x1d: {  	[tilespmem:$0x50D0] =	vst v1  }
0x1e: {  	[tilespmem:$0x50E0] =	vst v1  }
0x1f: {  	[tilespmem:$0x50F0] =	vst v1  }
0x20: {  	[tilespmem:$0x5100] =	vst v1  }
0x21: {  	[tilespmem:$0x5110] =	vst v1  }
0x22: {  	[tilespmem:$0x5120] =	vst v1  }
0x23: {  	[tilespmem:$0x5130] =	vst v1  }
0x24: {  	[tilespmem:$0x5140] =	vst v1  }
0x25: {  	[tilespmem:$0x5150] =	vst v1  }
0x26: {  	[tilespmem:$0x5160] =	vst v1  }
0x27: {  	[tilespmem:$0x5170] =	vst v1  }
0x28: {  	[tilespmem:$0x5180] =	vst v1  }
0x29: {  	[tilespmem:$0x5190] =	vst v1  }
0x2a: {  	[tilespmem:$0x51A0] =	vst v1  }
0x2b: {  	[tilespmem:$0x51B0] =	vst v1  }
0x2c: {  	[tilespmem:$0x51C0] =	vst v1  }
0x2d: {  	[tilespmem:$0x51D0] =	vst v1  }
0x2e: {  	[tilespmem:$0x51E0] =	vst v1  }
0x2f: {  	[tilespmem:$0x51F0] =	vst v1  }
0x30: {  	[tilespmem:$0x5200] =	vst v1  }
0x31: {  	[tilespmem:$0x5210] =	vst v1  }
0x32: {  	[tilespmem:$0x5220] =	vst v1  }
0x33: {  	[tilespmem:$0x5230] =	vst v1  }
0x34: {  	[tilespmem:$0x5240] =	vst v1  }
0x35: {  	[tilespmem:$0x5250] =	vst v1  }
0x36: {  	[tilespmem:$0x5260] =	vst v1  }
0x37: {  	[tilespmem:$0x5270] =	vst v1  }
0x38: {  	[tilespmem:$0x5280] =	vst v1  }
0x39: {  	[tilespmem:$0x5290] =	vst v1  }
0x3a: {  	[tilespmem:$0x52A0] =	vst v1  }
0x3b: {  	[tilespmem:$0x52B0] =	vst v1  }
0x3c: {  	[tilespmem:$0x52C0] =	vst v1  }
0x3d: {  	[tilespmem:$0x52D0] =	vst v1  }
0x3e: {  	[tilespmem:$0x52E0] =	vst v1  }
0x3f: {  	[tilespmem:$0x52F0] =	vst v1  }
0x40: {  	[spmem:s4] =	stream.linear.scatter [tilespmem:s8], [sflag:$0x2], $0x280, $0x38;
	[tilespmem:$0x5580] =	vst v63  }
0x41: {  	_ =	swait.ge [sflag:s9], $0x280  }
0x42: {  	[sflag:s9] =	ssyncset.done $0x0  }
0x43: {  	[sflag:s9] =	ssyncadd.s32 $0xFFFFFD80  }
0x44: {  	[bflag:$0x0] =	sbarrier.arrive $0xFFFF  }
0x45: {  	[tilespmem:s3], [sflag:$0x2] =	stream.linear.gather [hbm4b:s5+s3], $0x5000, $0x38;
	[tilespmem:$0x5580] =	vst v63  }
0x46: {  	_ =	swait.ge [sflag:s9], $0x5000  }
0x47: {  	[sflag:s9] =	ssyncset.done $0x0  }
0x48: {  	[sflag:s9] =	ssyncadd.s32 $0xFFFFB000  }
0x49: {  	[spmem:s2] =	stream.indirect.scatter.add.f32 [tilespmem:s11], [sflag:$0x1], $0x1, s3, s10, $0xb8;
	[tilespmem:$0x5580] =	vst v63  }
0x4a: {  	_ = 	snop  }
0x4b: {  	[spmem:s2] =	stream.indirect.scatter.add.f32 [tilespmem:s11], [sflag:$0x1], $0x1, s10, s10, $0xb8;
	[tilespmem:$0x5580] =	vst v63  }
0x4c: {  	_ = 	snop  }
0x4d: {  	[spmem:s2] =	stream.indirect.scatter.add.f32 [tilespmem:s11], [sflag:$0x1], $0x1, s12, s10, $0xb8;
	[tilespmem:$0x5580] =	vst v63  }
0x4e: {  	_ = 	snop  }
0x4f: {  	[spmem:s2] =	stream.indirect.scatter.add.f32 [tilespmem:s11], [sflag:$0x1], $0x1, s13, s10, $0xb8;
	[tilespmem:$0x5580] =	vst v63  }
0x50: {  	_ = 	snop  }
0x51: {  	[spmem:s2] =	stream.indirect.scatter.add.f32 [tilespmem:s11], [sflag:$0x1], $0x1, s14, s10, $0xb8;
	[tilespmem:$0x5580] =	vst v63  }
0x52: {  	_ = 	snop  }
0x53: {  	[spmem:s2] =	stream.indirect.scatter.add.f32 [tilespmem:s11], [sflag:$0x1], $0x1, s15, s10, $0xb8;
	[tilespmem:$0x5580] =	vst v63  }
0x54: {  	_ = 	snop  }
0x55: {  	[spmem:s2] =	stream.indirect.scatter.add.f32 [tilespmem:s11], [sflag:$0x1], $0x1, s16, s10, $0xb8;
	[tilespmem:$0x5580] =	vst v63  }
0x56: {  	_ = 	snop  }
0x57: {  	[spmem:s2] =	stream.indirect.scatter.add.f32 [tilespmem:s11], [sflag:$0x1], $0x1, s17, s10, $0xb8;
	[tilespmem:$0x5580] =	vst v63  }
0x58: {  	_ =	swait.ge [sflag:s18], $0x80  }
0x59: {  	[sflag:s18] =	ssyncset.done $0x0  }
0x5a: {  	s20 =	simm.s32 $0x1200;
	s21 =	simm.s32 $0x400;
	[sflag:s18] =	ssyncadd.s32 $0xFFFFFF80  }
.LBB2_2:
0x5b: {  	[spmem:s2] =	stream.indirect.scatter.add.f32 [tilespmem:s11], [sflag:$0x1], $0x1, s21, s10, $0xb8;
	[tilespmem:$0x5580] =	vst v63  }
0x5c: {  	s21 =	smov.u32 s20;
	p0 =	sne.s32 s20, $0x13E00  }
.Ltmp0:
0x5d: {  	s20 =	sadd.s32 $0x200, s20;
	(pc) =	sbr.rel @p0 .LBB2_2-.Ltmp0, $4  }
0x5e: {  	_ = 	snop  }
0x5f: {  	_ =	swait.ge [sflag:s18], $0x80  }
0x60: {  	[sflag:s18] =	ssyncset.done $0x0  }
0x61: {  	s21 =	sshra.s32 s21, $0x2;
	[sflag:s18] =	ssyncadd.s32 $0xFFFFFF80  }
0x62: {  	[spmem:s2] =	stream.indirect.scatter.add.f32 [tilespmem:s11], [sflag:$0x1], $0x1, s21, s10, $0xb8;
	[tilespmem:$0x5580] =	vst v63  }
0x63: {  	_ =	swait.ge [sflag:s18], $0x80  }
0x64: {  	[sflag:s18] =	ssyncset.done $0x0  }
0x65: {  	[sflag:s18] =	ssyncadd.s32 $0xFFFFFF80  }
0x66: {  	_ =	swait.ge [sflag:s18], $0x80  }
0x67: {  	[sflag:s18] =	ssyncset.done $0x0  }
0x68: {  	[sflag:s18] =	ssyncadd.s32 $0xFFFFFF80  }
0x69: {  	_ =	swait.ge [sflag:s18], $0x80  }
0x6a: {  	[sflag:s18] =	ssyncset.done $0x0  }
0x6b: {  	[sflag:s18] =	ssyncadd.s32 $0xFFFFFF80  }
0x6c: {  	_ =	swait.ge [sflag:s18], $0x80  }
0x6d: {  	[sflag:s18] =	ssyncset.done $0x0  }
0x6e: {  	[sflag:s18] =	ssyncadd.s32 $0xFFFFFF80  }
0x6f: {  	_ =	swait.ge [sflag:s18], $0x80  }
0x70: {  	[sflag:s18] =	ssyncset.done $0x0  }
0x71: {  	[sflag:s18] =	ssyncadd.s32 $0xFFFFFF80  }
0x72: {  	_ =	swait.ge [sflag:s18], $0x80  }
0x73: {  	[sflag:s18] =	ssyncset.done $0x0  }
0x74: {  	[sflag:s18] =	ssyncadd.s32 $0xFFFFFF80  }
0x75: {  	_ =	swait.ge [sflag:s18], $0x80  }
0x76: {  	[sflag:s18] =	ssyncset.done $0x0  }
0x77: {  	[sflag:s18] =	ssyncadd.s32 $0xFFFFFF80  }
0x78: {  	_ =	swait.ge [sflag:s18], $0x80  }
0x79: {  	[sflag:s18] =	ssyncset.done $0x0  }
0x7a: {  	[sflag:s18] =	ssyncadd.s32 $0xFFFFFF80  }
0x7b: {  	[bflag:$0x0] =	sbarrier.arrive $0xFFFF  }
0x7c: {  	[tilespmem:s8], [sflag:$0x2] =	stream.linear.gather [spmem:s4], $0x280, $0x38;
	[tilespmem:$0x5580] =	vst v63  }
0x7d: {  	s19 =	sadd.s32 $0x1, s19;
	_ =	swait.ge [sflag:s9], $0x280  }
0x7e: {  	p0 =	sne.s32 s19, s7;
	[sflag:s9] =	ssyncset.done $0x0  }
.Ltmp1:
0x7f: {  	[sflag:s9] =	ssyncadd.s32 $0xFFFFFD80;
	(pc) =	sbr.rel @p0 .LBB2_1-.Ltmp1, $4  }
0x80: {  	[hbm4b:s6+s10] =	stream.strided.scatter [tilespmem:s8], [sflag:$0x2], $0x280, s12, s10, $0x38;
	[tilespmem:$0x5580] =	vst v63  }
0x81: {  	_ =	swait.ge [sflag:s9], $0x280  }
0x82: {  	[sflag:s9] =	ssyncset.done $0x0  }
0x83: {  	[sflag:s9] =	ssyncadd.s32 $0xFFFFFD80  }
0x84: {  	_ =	sfence.sel $0x180000  }
0x85: {  	[bflag:$0x0] =	sbarrier.arrive $0xFFFF  }
0x86: {  	p0 =	sne.s32 s0, $0x0;
	_ =	strace $0x90000047  }
0x87: {  	s0 =	sadd.s32 @!p0 $0x100000, s1;
	[bflag:$0x2] =	sbarrier.arrive $0xFFFF  }
0x88: {  	[sflag:s0] =	ssyncadd.tile.s32 @!p0 $0x1;
	_ =	shalt  }
.Lfunc_end2:
_tile_overlayer_lowered:
.L_overlay_start_2:
0x89: {  	(tag) =	ssettag $0x2  }
0x8a: {  	s0 =	rddreg [dreg:$0x0];
	s2 =	stileid.u32  }
0x8b: {  	s1 =	rddreg [dreg:$0x1];
	p0 =	sne.s32 s2, $0x0  }
0x8c: {  	s3 =	rddreg [dreg:$0x2];
	[bflag:$0x3] =	sbarrier.arrive $0xFFFF;
	s2 =	simm.s32 @!p0 $0x1C02  }
0x8d: {  	[timem:s3], [sflag:s2] =	dma.local @!p0 [hbm:s0], s1  }
0x8e: {  	s0 =	simm.s32 @!p0 $0x2  }
0x8f: {  	_ =	swait.ge @!p0 [sflag:s0], s1  }
0x90: {  	s1 =	ssub.s32 @!p0 $0x0, s1;
	[sflag:s0] =	ssyncset.done @!p0 $0x0  }
0x91: {  	[sflag:s0] =	ssyncadd.s32 @!p0 s1  }
0x92: {  	[bflag:$0x3] =	sbarrier.arrive $0xFFFF  }
0x93: {  	_ =	shalt  }

// kernel: kernel.9.cloned.1.call-start
scs
__scs_entry_jumppad:
0x0: {  	(pc) =	sbr.rel $0x88, $3  }
0x1: {  	(tag) =	ssettag $0x0;
	lr =	simm.s32 $0x1  }
0x2: {  	[smem:$0x3F9E] =	sst lr;
	_ =	strace $0xD0000000  }
0x3: {  	_ = 	snop  }
0x4: {  	_ = 	snop  }
0x5: {  	_ = 	snop  }
0x6: {  	_ = 	snop  }
0x7: {  	_ = 	snop  }
__scs_overlays_trampoline_lowered:
0x8: {  	[smem:$0x3FAD] =	sst s0  }
0x9: {  	[smem:$0x3FAE] =	sst s1  }
0xa: {  	[smem:$0x3FAF] =	sst s2  }
0xb: {  	[smem:$0x3FB0] =	sst s3  }
0xc: {  	[smem:$0x3FB1] =	sst s4  }
0xd: {  	[smem:$0x3FB2] =	sst s5  }
0xe: {  	[smem:$0x3FB3] =	sst s6  }
0xf: {  	[smem:$0x3FB4] =	sst s7  }
0x10: {  	[smem:$0x3FB5] =	sst s8  }
0x11: {  	[smem:$0x3FB6] =	sst s9;
	s0 =	simm.s32 @!p0 $0x0  }
0x12: {  	s1 =	sld [smem:$0x3F9C];
	s0 =	simm.s32 @p0 $0x1  }
0x13: {  	[smem:$0x3FB7] =	sst s0;
	s0 =	simm.s32 @!p1 $0x0  }
0x14: {  	s2 =	sld [smem:$0x3F9B];
	s0 =	simm.s32 @p1 $0x1  }
0x15: {  	[smem:$0x3FB8] =	sst s0;
	s0 =	simm.s32 @!p2 $0x0  }
0x16: {  	s3 =	sld [smem:$0x3FDB];
	s0 =	simm.s32 @p2 $0x1  }
0x17: {  	s4 =	simm.s32 $0x1BF5;
	[smem:$0x3FBA] =	sst s0  }
0x18: {  	s0 =	sld [smem:$0x3F9D];
	_ =	swait.ge [sflag:s4], $0x0  }
0x19: {  	s7 =	sld [smem:$0x3F9E]  }
0x1a: {  	s8 =	sadd.s32 $0xFFFFE003, lr  }
0x1b: {  	s9 =	sadd.s32 $0xFFFFFEF7, lr;
	s5 =	simm.s32 $0xFFFFFFFF;
	p2 =	slt.u32 s8, $0xFFFFF086  }
0x1c: {  	p1 =	slt.u32 s9, $0xF7A;
	s5 =	simm.s32 @!p2 $0x0  }
0x1d: {  	s5 =	simm.s32 @p1 $0x1;
	p0 =	seq.s32 s7, s2  }
0x1e: {  	s7 =	smul.u32 @!p0 $0xF7A, s2;
	p2 =	seq.s32 @!p0 s5, $0x0  }
0x1f: {  	s9 =	smul.u32 $0xF7A, s1;
	s8 =	simm.s32 @!p0 $0x1BF5;
	p2 =	por !p2, p0  }
0x20: {  	[sflag:s8] =	ssyncset.s32 @!p0 $0xFFFFF086;
	s6 =	sadd.s32 @!p0 s3, s7;
	s7 =	simm.s32 @!p0 $0x108  }
0x21: {  	s3 =	sadd.s32 s3, s9;
	s6 =	sadd.s32 @!p0 $0x88, s6;
	s7 =	simm.s32 @p2 $0x1082  }
0x22: {  	[simem:s7], [sflag:s8] =	dma.local @!p0 [hbm:s6], $0xF7A  }
0x23: {  	s9 =	sor.u32 $0xD0000000, s2;
	s6 =	simm.s32 $0x108;
	_ =	swait.ge @!p0 [sflag:s8], $0x0  }
0x24: {  	s3 =	sadd.s32 $0x88, s3;
	s6 =	simm.s32 @!p1 $0x1082;
	[sflag:s4] =	ssyncset.s32 $0xFFFFF086  }
0x25: {  	[simem:s6], [sflag:s4] =	dma.local [hbm:s3], $0xF7A  }
0x26: {  	[smem:$0x3F9E] =	sst s1;
	(tag) =	ssettag s2;
	_ =	strace s9  }
0x27: {  	s1 =	sld [smem:$0x3FAE]  }
0x28: {  	s2 =	sld [smem:$0x3FAF]  }
0x29: {  	s4 =	sld [smem:$0x3FB1]  }
0x2a: {  	p0 =	seq.s32 s5, $0x0;
	s5 =	sld [smem:$0x3FB2]  }
0x2b: {  	s6 =	sld [smem:$0x3FB3]  }
0x2c: {  	s7 =	sld [smem:$0x3FB4]  }
0x2d: {  	s3 =	simm.s32 $0x108;
	s8 =	sld [smem:$0x3FB5]  }
0x2e: {  	s3 =	simm.s32 @!p0 $0x1082;
	s9 =	sld [smem:$0x3FB6]  }
0x2f: {  	lr =	sadd.s32 s0, s3;
	s0 =	sld [smem:$0x3FAD]  }
0x30: {  	s3 =	sld [smem:$0x3FB0]  }
0x31: {  	[smem:$0x3FB9] =	sst s10  }
0x32: {  	s10 =	sld [smem:$0x3FB7];
	_ =	sdelay $0x3  }
0x33: {  	p0 =	seq.s32 s10, $0x1;
	s10 =	sld [smem:$0x3FB9];
	_ =	sdelay $0x3  }
0x34: {  	[smem:$0x3FB9] =	sst s10  }
0x35: {  	s10 =	sld [smem:$0x3FB8];
	_ =	sdelay $0x3  }
0x36: {  	p1 =	seq.s32 s10, $0x1;
	s10 =	sld [smem:$0x3FB9];
	_ =	sdelay $0x3  }
0x37: {  	[smem:$0x3FB9] =	sst s10  }
0x38: {  	s10 =	sld [smem:$0x3FBA]  }
0x39: {  	_ = 	snop;
	(pc) =	sbr.ind lr, $3  }
0x3a: {  	_ = 	snop  }
0x3b: {  	_ = 	snop  }
0x3c: {  	p2 =	seq.s32 s10, $0x1;
	s10 =	sld [smem:$0x3FB9]  }
0x3d: {  	_ =	shalt  }
0x3e: {  	_ =	shalt  }
0x3f: {  	_ =	shalt  }
0x40: {  	_ =	shalt  }
0x41: {  	_ =	shalt  }
0x42: {  	_ =	shalt  }
0x43: {  	_ =	shalt  }
0x44: {  	_ =	shalt  }
0x45: {  	_ =	shalt  }
0x46: {  	_ =	shalt  }
0x47: {  	_ =	shalt  }
0x48: {  	_ =	shalt  }
0x49: {  	_ =	shalt  }
0x4a: {  	_ =	shalt  }
0x4b: {  	_ =	shalt  }
0x4c: {  	_ =	shalt  }
0x4d: {  	_ =	shalt  }
0x4e: {  	_ =	shalt  }
0x4f: {  	_ =	shalt  }
0x50: {  	_ =	shalt  }
0x51: {  	_ =	shalt  }
0x52: {  	_ =	shalt  }
0x53: {  	_ =	shalt  }
0x54: {  	_ =	shalt  }
0x55: {  	_ =	shalt  }
0x56: {  	_ =	shalt  }
0x57: {  	_ =	shalt  }
0x58: {  	_ =	shalt  }
0x59: {  	_ =	shalt  }
0x5a: {  	_ =	shalt  }
0x5b: {  	_ =	shalt  }
0x5c: {  	_ =	shalt  }
0x5d: {  	_ =	shalt  }
0x5e: {  	_ =	shalt  }
0x5f: {  	_ =	shalt  }
0x60: {  	_ =	shalt  }
0x61: {  	_ =	shalt  }
0x62: {  	_ =	shalt  }
0x63: {  	_ =	shalt  }
0x64: {  	_ =	shalt  }
0x65: {  	_ =	shalt  }
0x66: {  	_ =	shalt  }
0x67: {  	_ =	shalt  }
0x68: {  	_ =	shalt  }
0x69: {  	_ =	shalt  }
0x6a: {  	_ =	shalt  }
0x6b: {  	_ =	shalt  }
0x6c: {  	_ =	shalt  }
0x6d: {  	_ =	shalt  }
0x6e: {  	_ =	shalt  }
0x6f: {  	_ =	shalt  }
0x70: {  	_ =	shalt  }
0x71: {  	_ =	shalt  }
0x72: {  	_ =	shalt  }
0x73: {  	_ =	shalt  }
0x74: {  	_ =	shalt  }
0x75: {  	_ =	shalt  }
0x76: {  	_ =	shalt  }
0x77: {  	_ =	shalt  }
0x78: {  	_ =	shalt  }
0x79: {  	_ =	shalt  }
0x7a: {  	_ =	shalt  }
0x7b: {  	_ =	shalt  }
0x7c: {  	_ =	shalt  }
0x7d: {  	_ =	shalt  }
0x7e: {  	_ =	shalt  }
0x7f: {  	_ =	shalt  }
0x80: {  	_ =	shalt  }
0x81: {  	_ =	shalt  }
0x82: {  	_ =	shalt  }
0x83: {  	_ =	shalt  }
0x84: {  	_ =	shalt  }
0x85: {  	_ =	shalt  }
0x86: {  	_ =	shalt  }
0x87: {  	_ =	shalt  }
.Lfunc_end0:
.L_simem_size_0:
called_computation.1_lowered:
.L_overlay_start_0:
0x88: {  	s2 =	sld [smem:$0x3FD9]  }
0x89: {  	s3 =	sld [smem:$0x3FFE];
	_ =	sdelay $0x1  }
0x8a: {  	s1 =	srdreg.scid  }
0x8b: {  	s0 =	sand.u32 $0x1, s1  }
0x8c: {  	s17 =	sshll.u32 s0, $0xA;
	s2 =	sadd.s32 s3, s2  }
0x8d: {  	s2 =	sadd.s32 s2, s17  }
0x8e: {  	[smem:$0x3FC5] =	sst s2  }
0x8f: {  	_ = 	snop  }
0x90: {  	s2 =	sld [smem:$0x3FD0];
	(tm) =	ssettm $0x1  }
0x91: {  	s18 =	sld [smem:$0x3FFB];
	_ =	sdelay $0x3  }
0x92: {  	_ =	strace s18  }
0x93: {  	s3 =	sld [smem:$0x3FFC];
	_ =	sdelay $0x3  }
0x94: {  	_ =	strace s3  }
0x95: {  	s3 =	sld [smem:$0x3FFD];
	_ =	sdelay $0x3  }
0x96: {  	_ =	strace s3  }
0x97: {  	_ =	strace $0x8FFFFFFF  }
0x98: {  	s19 =	sld [smem:$0x3FDB];
	_ =	sdelay $0x1  }
0x99: {  	s4 =	simm.s32 $_scs_section_size  }
0x9a: {  	s5 =	simm.s32 $_size__tile_overlayer_lowered;
	s6 =	simm.s32 $_tile_overlayer_lowered  }
0x9b: {  	s22 =	simm.s32 $0x1BFF;
	s21 =	sshll.u32 s6, $0x1;
	s3 =	sadd.s32 s4, s19  }
0x9c: {  	s7 =	simm.s32 $0x0;
	s20 =	sshll.u32 s5, $0x1;
	s5 =	sadd.s32 s21, s3  }
0x9d: {  	[timem:s7], [sflag:s22] =	dma.local [hbm:s5], s20  }
0x9e: {  	_ =	swait.ge [sflag:s22], s20  }
0x9f: {  	s4 =	ssub.s32 $0x0, s20;
	[sflag:s22] =	ssyncset.done $0x0  }
0xa0: {  	[sflag:s22] =	ssyncadd.s32 s4;
	_ =	sdelay $0x1  }
0xa1: {  	s23 =	simm.s32 $0x1B8B  }
0xa2: {  	_ =	swait.ge [sflag:s23], $0x1  }
0xa3: {  	[sflag:s23] =	ssyncset.done $0x0  }
0xa4: {  	s25 =	simm.s32 $0x1B8E;
	s24 =	sld [smem:$0x3FFE];
	[sflag:s23] =	ssyncadd.s32 $0xFFFFFFFF  }
0xa5: {  	s26 =	simm.s32 $execute0_lowered;
	[smem:$0x3FD2] =	sst s25  }
0xa6: {  	s5 =	sshll.u32 s26, $0x1;
	_ =	strace $0x80000049;
	[dreg:$0x1] =	wrdreg $0xFFFFFFFF  }
0xa7: {  	s28 =	simm.s32 $_size_execute0_lowered;
	s3 =	sadd.s32 s3, s5;
	[dreg:$0x0] =	wrdreg $0x0  }
0xa8: {  	s5 =	sshll.u32 s28, $0x1;
	[dreg:$0x2] =	wrdreg s3  }
0xa9: {  	[dreg:$0x3] =	wrdreg s5  }
0xaa: {  	[dreg:$0x4] =	wrdreg $0xC0  }
0xab: {  	_ =	task [dreg:s7], $0x5FFFF  }
0xac: {  	[dreg:$0x1] =	wrdreg $0xFFFFFFFF  }
0xad: {  	[dreg:$0x0] =	wrdreg $0x60  }
0xae: {  	[dreg:$0x2] =	wrdreg s2  }
0xaf: {  	[dreg:$0x3] =	wrdreg s24  }
0xb0: {  	[dreg:$0x4] =	wrdreg $0xA9000  }
0xb1: {  	[dreg:$0x5] =	wrdreg $0x9  }
0xb2: {  	_ =	task.clear_ibuf [dreg:s7], $0x6FFFF;
	_ =	strace $0x90000049  }
0xb3: {  	s29 =	simm.s32 $0x9;
	_ =	strace $0x8000004B  }
0xb4: {  	_ =	swait.ge [sflag:s29], $0x1  }
0xb5: {  	[sflag:s29] =	ssyncadd.s32 $0xFFFFFFFF  }
0xb6: {  	_ =	strace $0x9000004B  }
0xb7: {  	_ =	sfence  }
0xb8: {  	s30 =	sld [smem:$0x0];
	_ =	sdelay $0x2  }
0xb9: {  	s31 =	sshll.u32 s1, $0xD;
	s1 =	sshrl.u32 s1, $0x2  }
0xba: {  	s3 =	sand.u32 $0x4000, s31;
	s1 =	sadd.s32 s1, s30  }
0xbb: {  	s0 =	sor.u32 s3, s0;
	s1 =	sshll.u32 s1, $0x11  }
0xbc: {  	s0 =	sor.u32 s1, s0  }
0xbd: {  	s0 =	sadd.s32 $0x8F2B, s0  }
0xbe: {  	[sflag:s0] =	ssyncadd.remote.s32 $0x1  }
0xbf: {  	_ =	sfence.sel $0xFFFF  }
0xc0: {  	[dreg:$0x0] =	wrdreg $0xFFFFFFFF;
	(pc) =	sbr.abs _section_cstart, $3  }
0xc1: {  	[dreg:$0x1] =	wrdreg $0xFFFFFFFF  }
0xc2: {  	_ =	task.clear_ibuf [dreg:s7], $0x2FFFF;
	_ =	strace $0x9FFFFFFF  }
0xc3: {  	(tm) =	ssettm $0x7FFFFFFF  }
tec
execute0_lowered:
.L_overlay_start_1:
0x0: {  	(tag) =	ssettag $0x1  }
0x1: {  	s1 =	rddreg [dreg:$0x0]  }
0x2: {  	s0 =	srdreg.scid;
	s2 =	rddreg [dreg:$0x1]  }
0x3: {  	s6 =	stileid.u32;
	s3 =	rddreg [dreg:$0x2];
	s28 =	simm.s32 $0x1  }
0x4: {  	s29 =	simm.s32 $0x3;
	s30 =	simm.s32 $0x2;
	s7 =	smul.u32 $0x50000, s6  }
0x5: {  	s31 =	simm.s32 $0x4;
	s0 =	sand.u32 $0x1, s0;
	s14 =	smul.u32 $0x14000, s6  }
0x6: {  	s4 =	sshll.u32 s0, $0x4;
	s8 =	ssub.s32 $0x2, s0;
	s0 =	smul.u32 $0x140000, s0  }
0x7: {  	s5 =	sor.u32 s6, s4;
	s4 =	simm.s32 $0x0;
	s6 =	sadd.s32 $0x2A00, s2  }
0x8: {  	s9 =	sshrl.u32 s8, $0x1;
	s7 =	sshrl.u32 s7, $0x2;
	s15 =	sadd.s32 $0x4000, s14  }
0x9: {  	s17 =	sadd.s32 $0x8000, s14;
	s18 =	sadd.s32 $0xC000, s14;
	s19 =	sadd.s32 $0x10000, s14  }
0xa: {  	s5 =	smul.u32 $0x2800, s5;
	[smem:$0x7FF] =	sst s4;
	s20 =	ssub.s32 s8, s9  }
0xb: {  	s7 =	sadd.s32 s7, s3;
	s8 =	sadd.s32 s15, s3;
	s9 =	sadd.s32 s17, s3  }
0xc: {  	s10 =	sadd.s32 s18, s3;
	s11 =	sadd.s32 s19, s3;
	s14 =	sadd.s32 s14, s0  }
0xd: {  	s15 =	sadd.s32 s0, s15;
	s25 =	sadd.s32 s0, s17;
	s26 =	sadd.s32 s0, s18  }
0xe: {  	s0 =	sadd.s32 s0, s19;
	_ =	strace $0x8000004A;
	s21 =	sshrl.u32 s14, $0x3  }
0xf: {  	s22 =	sshrl.u32 s15, $0x3;
	s14 =	sshrl.u32 s26, $0x3;
	s12 =	sshrl.u32 s5, $0x3  }
0x10: {  	s0 =	sshrl.u32 s0, $0x3;
	s20 =	smax.u32 s20, $0x1;
	s13 =	sadd.s32 s12, s2  }
0x11: {  	s26 =	simm.s32 $0x2880;
	s2 =	sadd.s32 $0x16A00, s2;
	s13 =	sadd.s32 $0xCA00, s13  }
0x12: {  	s24 =	sadd.s32 s2, s22;
	s18 =	sadd.s32 s2, s14;
	s19 =	sadd.s32 s2, s0  }
0x13: {  	s22 =	simm.s32 $0x5;
	[dreg:$0x4] =	wrdreg s13;
	s13 =	sadd.s32 s6, s12  }
0x14: {  	s12 =	sadd.s32 s2, s21;
	[dreg:$0x7] =	wrdreg s24;
	s21 =	simm.s32 $0x2900  }
0x15: {  	s24 =	simm.s32 $0x2800;
	s23 =	sadd.s32 $0x10, s13;
	[dreg:$0x6] =	wrdreg s12  }
0x16: {  	s12 =	sshrl.u32 s25, $0x3;
	s25 =	simm.s32 $0x6900;
	[dreg:$0x5] =	wrdreg s23  }
0x17: {  	v0 =	vimm.f32 $0.0e+00;
	s17 =	sadd.s32 s2, s12;
	s23 =	simm.s32 $0x80;
	s2 =	simm.s32 $0x0  }
.LBB2_1:
0x18: {  	s0 =	simm.s32 $0x0;
	s12 =	simm.s32 $0x200  }
.LBB2_2:
0x19: {  	p0 =	sne.s32 s12, $0xFE00;
	[tilespmem:s0+$0x2970] =	vst v0  }
0x1a: {  	[tilespmem:s0+$0x2900] =	vst v0  }
0x1b: {  	[tilespmem:s0+$0x2910] =	vst v0  }
.Ltmp0:
0x1c: {  	[tilespmem:s0+$0x2920] =	vst v0;
	(pc) =	sbr.rel @p0 .LBB2_2-.Ltmp0, $4  }
0x1d: {  	[tilespmem:s0+$0x2930] =	vst v0  }
0x1e: {  	[tilespmem:s0+$0x2940] =	vst v0  }
0x1f: {  	[tilespmem:s0+$0x2950] =	vst v0  }
0x20: {  	[tilespmem:s0+$0x2960] =	vst v0;
	s0 =	sshra.s32 s12, $0x2;
	s12 =	sadd.s32 $0x200, s12  }
0x21: {  	[tilespmem:s0+$0x2970] =	vst v0  }
0x22: {  	[tilespmem:s0+$0x2900] =	vst v0  }
0x23: {  	[tilespmem:s0+$0x2910] =	vst v0  }
0x24: {  	[tilespmem:s0+$0x2920] =	vst v0  }
0x25: {  	[tilespmem:s0+$0x2930] =	vst v0  }
0x26: {  	[tilespmem:s0+$0x2940] =	vst v0  }
0x27: {  	[tilespmem:s0+$0x2950] =	vst v0  }
0x28: {  	[tilespmem:s0+$0x2960] =	vst v0  }
0x29: {  	[spmem:s7] =	stream.linear.scatter [tilespmem:s21], [sflag:$0x5], $0x4000, $0x38;
	[tilespmem:$0x1E900] =	vst v63  }
0x2a: {  	_ =	swait.ge [sflag:s22], $0x4000  }
0x2b: {  	[sflag:s22] =	ssyncset.done $0x0  }
0x2c: {  	[sflag:s22] =	ssyncadd.s32 $0xFFFFC000  }
0x2d: {  	[spmem:s8] =	stream.linear.scatter [tilespmem:s21], [sflag:$0x5], $0x4000, $0x38;
	[tilespmem:$0x1E900] =	vst v63  }
0x2e: {  	_ =	swait.ge [sflag:s22], $0x4000  }
0x2f: {  	[sflag:s22] =	ssyncset.done $0x0  }
0x30: {  	[sflag:s22] =	ssyncadd.s32 $0xFFFFC000  }
0x31: {  	[spmem:s9] =	stream.linear.scatter [tilespmem:s21], [sflag:$0x5], $0x4000, $0x38;
	[tilespmem:$0x1E900] =	vst v63  }
0x32: {  	_ =	swait.ge [sflag:s22], $0x4000  }
0x33: {  	[sflag:s22] =	ssyncset.done $0x0  }
0x34: {  	[sflag:s22] =	ssyncadd.s32 $0xFFFFC000  }
0x35: {  	[spmem:s10] =	stream.linear.scatter [tilespmem:s21], [sflag:$0x5], $0x4000, $0x38;
	[tilespmem:$0x1E900] =	vst v63  }
0x36: {  	_ =	swait.ge [sflag:s22], $0x4000  }
0x37: {  	[sflag:s22] =	ssyncset.done $0x0  }
0x38: {  	[sflag:s22] =	ssyncadd.s32 $0xFFFFC000  }
0x39: {  	[spmem:s11] =	stream.linear.scatter [tilespmem:s21], [sflag:$0x5], $0x4000, $0x38;
	[tilespmem:$0x1E900] =	vst v63  }
0x3a: {  	_ =	swait.ge [sflag:s22], $0x4000  }
0x3b: {  	[sflag:s22] =	ssyncset.done $0x0  }
0x3c: {  	[sflag:s22] =	ssyncadd.s32 $0xFFFFC000  }
0x3d: {  	[bflag:$0x0] =	sbarrier.arrive $0xFFFF  }
0x3e: {  	s16 =	rddreg [dreg:$0x4]  }
0x3f: {  	[tilespmem:s4], [sflag:$0x5] =	stream.linear.gather [hbm4b:s16+s4], $0x2800, $0x38;
	[tilespmem:$0x1E900] =	vst v63  }
0x40: {  	_ =	swait.ge [sflag:s22], $0x2800  }
0x41: {  	[sflag:s22] =	ssyncset.done $0x0  }
0x42: {  	[sflag:s22] =	ssyncadd.s32 $0xFFFFD800  }
0x43: {  	[tilespmem:s21], [sflag:$0x1] =	stream.indirect.gather [hbm4b:s1+s23], $0x80, s4, s23, $0xb8;
	[tilespmem:$0x1E900] =	vst v63  }
0x44: {  	_ = 	snop  }
0x45: {  	[tilespmem:s24], [sflag:$0x3] =	stream.linear.gather [hbm4b:s13+s4], $0x80, $0x38;
	[tilespmem:$0x1E900] =	vst v63  }
0x46: {  	_ = 	snop  }
0x47: {  	[tilespmem:s25], [sflag:$0x2] =	stream.indirect.gather [hbm4b:s1+s23], $0x80, s23, s23, $0xb8;
	[tilespmem:$0x1E900] =	vst v63  }
0x48: {  	s12 =	rddreg [dreg:$0x5]  }
0x49: {  	[tilespmem:s26], [sflag:$0x4] =	stream.linear.gather [hbm4b:s12+s4], $0x80, $0x38;
	[tilespmem:$0x1E900] =	vst v63  }
0x4a: {  	_ =	swait.ge [sflag:s28], $0x4000  }
0x4b: {  	[sflag:s28] =	ssyncset.done $0x0  }
0x4c: {  	[sflag:s28] =	ssyncadd.s32 $0xFFFFC000  }
0x4d: {  	_ =	swait.ge [sflag:s29], $0x80  }
0x4e: {  	s14 =	simm.s32 $0x100;
	[sflag:s29] =	ssyncset.done $0x0  }
0x4f: {  	s12 =	sand.u32 $0x7C00, s14;
	[sflag:s29] =	ssyncadd.s32 $0xFFFFFF80  }
0x50: {  	[spmem:s3] =	stream.indirect.scatter.add.f32 [tilespmem:s21], [sflag:$0x5], $0x80, s24, s23, $0xb8;
	[tilespmem:$0x1E900] =	vst v63  }
0x51: {  	s14 =	sand.u32 $0x300, s14;
	s12 =	sadd.s32 s5, s12;
	_ =	swait.ge [sflag:s22], $0x4000  }
0x52: {  	s12 =	sor.u32 s14, s12;
	[sflag:s22] =	ssyncset.done $0x0  }
0x53: {  	s0 =	simm.s32 $0x100;
	s12 =	sshrl.u32 s12, $0x3;
	[sflag:s22] =	ssyncadd.s32 $0xFFFFC000  }
0x54: {  	[tilespmem:s21], [sflag:$0x1] =	stream.indirect.gather [hbm4b:s1+s23], $0x80, s0, s23, $0xb8;
	[tilespmem:$0x1E900] =	vst v63  }
0x55: {  	s12 =	sadd.s32 s6, s12  }
0x56: {  	[tilespmem:s24], [sflag:$0x3] =	stream.linear.gather [hbm4b:s12+s4], $0x80, $0x38;
	[tilespmem:$0x1E900] =	vst v63  }
0x57: {  	_ =	swait.ge [sflag:s30], $0x4000  }
0x58: {  	[sflag:s30] =	ssyncset.done $0x0  }
0x59: {  	[sflag:s30] =	ssyncadd.s32 $0xFFFFC000  }
0x5a: {  	_ =	swait.ge [sflag:s31], $0x80  }
0x5b: {  	s12 =	simm.s32 $0x180;
	[sflag:s31] =	ssyncset.done $0x0  }
0x5c: {  	s16 =	sand.u32 $0x7C00, s12;
	[sflag:s31] =	ssyncadd.s32 $0xFFFFFF80  }
0x5d: {  	[spmem:s3] =	stream.indirect.scatter.add.f32 [tilespmem:s25], [sflag:$0x5], $0x80, s26, s23, $0xb8;
	[tilespmem:$0x1E900] =	vst v63  }
0x5e: {  	s12 =	sand.u32 $0x380, s12;
	s14 =	sadd.s32 s5, s16;
	_ =	swait.ge [sflag:s22], $0x4000  }
0x5f: {  	s15 =	simm.s32 $0x180;
	s14 =	sor.u32 s12, s14;
	[sflag:s22] =	ssyncset.done $0x0  }
0x60: {  	s12 =	simm.s32 $0x280;
	s14 =	sshrl.u32 s14, $0x3;
	[sflag:s22] =	ssyncadd.s32 $0xFFFFC000  }
0x61: {  	[tilespmem:s25], [sflag:$0x2] =	stream.indirect.gather [hbm4b:s1+s23], $0x80, s15, s23, $0xb8;
	[tilespmem:$0x1E900] =	vst v63  }
.LBB2_4:
0x62: {  	p0 =	sne.s32 s12, $0x2780;
	s14 =	sadd.s32 s6, s14;
	s0 =	sadd.s32 $0x100, s0  }
0x63: {  	[tilespmem:s26], [sflag:$0x4] =	stream.linear.gather [hbm4b:s14+s4], $0x80, $0x38;
	[tilespmem:$0x1E900] =	vst v63  }
0x64: {  	s14 =	smov.u32 s12;
	s12 =	sadd.s32 $0x100, s12;
	_ =	swait.ge [sflag:s28], $0x4000  }
0x65: {  	[sflag:s28] =	ssyncset.done $0x0  }
0x66: {  	[sflag:s28] =	ssyncadd.s32 $0xFFFFC000  }
0x67: {  	_ =	swait.ge [sflag:s29], $0x80  }
0x68: {  	[sflag:s29] =	ssyncset.done $0x0  }
0x69: {  	s15 =	sadd.s32 $0xFFFFFF80, s14;
	[sflag:s29] =	ssyncadd.s32 $0xFFFFFF80  }
0x6a: {  	[spmem:s3] =	stream.indirect.scatter.add.f32 [tilespmem:s21], [sflag:$0x5], $0x80, s24, s23, $0xb8;
	[tilespmem:$0x1E900] =	vst v63  }
0x6b: {  	s16 =	sand.u32 $0x7C00, s15;
	_ =	swait.ge [sflag:s22], $0x4000  }
0x6c: {  	s15 =	sand.u32 $0x300, s15;
	s16 =	sadd.s32 s5, s16;
	[sflag:s22] =	ssyncset.done $0x0  }
0x6d: {  	s15 =	sor.u32 s15, s16;
	[sflag:s22] =	ssyncadd.s32 $0xFFFFC000  }
0x6e: {  	[tilespmem:s21], [sflag:$0x1] =	stream.indirect.gather [hbm4b:s1+s23], $0x80, s0, s23, $0xb8;
	[tilespmem:$0x1E900] =	vst v63  }
0x6f: {  	s15 =	sshrl.u32 s15, $0x3  }
0x70: {  	s15 =	sadd.s32 s6, s15  }
0x71: {  	[tilespmem:s24], [sflag:$0x3] =	stream.linear.gather [hbm4b:s15+s4], $0x80, $0x38;
	[tilespmem:$0x1E900] =	vst v63  }
0x72: {  	_ =	swait.ge [sflag:s30], $0x4000  }
0x73: {  	[sflag:s30] =	ssyncset.done $0x0  }
0x74: {  	[sflag:s30] =	ssyncadd.s32 $0xFFFFC000  }
0x75: {  	_ =	swait.ge [sflag:s31], $0x80  }
0x76: {  	[sflag:s31] =	ssyncset.done $0x0  }
0x77: {  	s15 =	sand.u32 $0x7C00, s14;
	[sflag:s31] =	ssyncadd.s32 $0xFFFFFF80  }
0x78: {  	[spmem:s3] =	stream.indirect.scatter.add.f32 [tilespmem:s25], [sflag:$0x5], $0x80, s26, s23, $0xb8;
	[tilespmem:$0x1E900] =	vst v63  }
.Ltmp1:
0x79: {  	_ = 	snop;
	(pc) =	sbr.rel @p0 .LBB2_4-.Ltmp1, $4  }
0x7a: {  	s14 =	sand.u32 $0x380, s14;
	s15 =	sadd.s32 s5, s15;
	_ =	swait.ge [sflag:s22], $0x4000  }
0x7b: {  	s14 =	sor.u32 s14, s15;
	[sflag:s22] =	ssyncset.done $0x0  }
0x7c: {  	s15 =	sadd.s32 $0x80, s0;
	s14 =	sshrl.u32 s14, $0x3;
	[sflag:s22] =	ssyncadd.s32 $0xFFFFC000  }
0x7d: {  	[tilespmem:s25], [sflag:$0x2] =	stream.indirect.gather [hbm4b:s1+s23], $0x80, s15, s23, $0xb8;
	[tilespmem:$0x1E900] =	vst v63  }
0x7e: {  	s0 =	sadd.s32 s6, s14  }
0x7f: {  	[tilespmem:s26], [sflag:$0x4] =	stream.linear.gather [hbm4b:s0+s4], $0x80, $0x38;
	[tilespmem:$0x1E900] =	vst v63  }
0x80: {  	_ =	swait.ge [sflag:s28], $0x4000  }
0x81: {  	[sflag:s28] =	ssyncset.done $0x0  }
0x82: {  	[sflag:s28] =	ssyncadd.s32 $0xFFFFC000  }
0x83: {  	_ =	swait.ge [sflag:s29], $0x80  }
0x84: {  	[sflag:s29] =	ssyncset.done $0x0  }
0x85: {  	[sflag:s29] =	ssyncadd.s32 $0xFFFFFF80  }
0x86: {  	[spmem:s3] =	stream.indirect.scatter.add.f32 [tilespmem:s21], [sflag:$0x5], $0x80, s24, s23, $0xb8;
	[tilespmem:$0x1E900] =	vst v63  }
0x87: {  	_ =	swait.ge [sflag:s22], $0x4000  }
0x88: {  	[sflag:s22] =	ssyncset.done $0x0  }
0x89: {  	[sflag:s22] =	ssyncadd.s32 $0xFFFFC000  }
0x8a: {  	_ =	swait.ge [sflag:s30], $0x4000  }
0x8b: {  	[sflag:s30] =	ssyncset.done $0x0  }
0x8c: {  	[sflag:s30] =	ssyncadd.s32 $0xFFFFC000  }
0x8d: {  	_ =	swait.ge [sflag:s31], $0x80  }
0x8e: {  	[sflag:s31] =	ssyncset.done $0x0  }
0x8f: {  	[sflag:s31] =	ssyncadd.s32 $0xFFFFFF80  }
0x90: {  	[spmem:s3] =	stream.indirect.scatter.add.f32 [tilespmem:s25], [sflag:$0x5], $0x80, s26, s23, $0xb8;
	[tilespmem:$0x1E900] =	vst v63  }
0x91: {  	_ =	swait.ge [sflag:s22], $0x4000  }
0x92: {  	[sflag:s22] =	ssyncset.done $0x0  }
0x93: {  	[sflag:s22] =	ssyncadd.s32 $0xFFFFC000  }
0x94: {  	[bflag:$0x0] =	sbarrier.arrive $0xFFFF  }
0x95: {  	[tilespmem:s21], [sflag:$0x5] =	stream.linear.gather [spmem:s7], $0x4000, $0x38;
	[tilespmem:$0x1E900] =	vst v63  }
0x96: {  	_ =	swait.ge [sflag:s22], $0x4000  }
0x97: {  	[sflag:s22] =	ssyncset.done $0x0  }
0x98: {  	s15 =	rddreg [dreg:$0x6];
	[sflag:s22] =	ssyncadd.s32 $0xFFFFC000  }
0x99: {  	[hbm4b:s15+s4] =	stream.linear.scatter [tilespmem:s21], [sflag:$0x5], $0x4000, $0x38;
	[tilespmem:$0x1E900] =	vst v63  }
0x9a: {  	_ =	swait.ge [sflag:s22], $0x4000  }
0x9b: {  	[sflag:s22] =	ssyncset.done $0x0  }
0x9c: {  	[sflag:s22] =	ssyncadd.s32 $0xFFFFC000  }
0x9d: {  	[tilespmem:s21], [sflag:$0x5] =	stream.linear.gather [spmem:s8], $0x4000, $0x38;
	[tilespmem:$0x1E900] =	vst v63  }
0x9e: {  	_ =	swait.ge [sflag:s22], $0x4000  }
0x9f: {  	[sflag:s22] =	ssyncset.done $0x0  }
0xa0: {  	s16 =	rddreg [dreg:$0x7];
	[sflag:s22] =	ssyncadd.s32 $0xFFFFC000  }
0xa1: {  	[hbm4b:s16+s4] =	stream.linear.scatter [tilespmem:s21], [sflag:$0x5], $0x4000, $0x38;
	[tilespmem:$0x1E900] =	vst v63  }
0xa2: {  	_ =	swait.ge [sflag:s22], $0x4000  }
0xa3: {  	[sflag:s22] =	ssyncset.done $0x0  }
0xa4: {  	[sflag:s22] =	ssyncadd.s32 $0xFFFFC000  }
0xa5: {  	[tilespmem:s21], [sflag:$0x5] =	stream.linear.gather [spmem:s9], $0x4000, $0x38;
	[tilespmem:$0x1E900] =	vst v63  }
0xa6: {  	_ =	swait.ge [sflag:s22], $0x4000  }
0xa7: {  	[sflag:s22] =	ssyncset.done $0x0  }
0xa8: {  	[sflag:s22] =	ssyncadd.s32 $0xFFFFC000  }
0xa9: {  	[hbm4b:s17+s4] =	stream.linear.scatter [tilespmem:s21], [sflag:$0x5], $0x4000, $0x38;
	[tilespmem:$0x1E900] =	vst v63  }
0xaa: {  	_ =	swait.ge [sflag:s22], $0x4000  }
0xab: {  	[sflag:s22] =	ssyncset.done $0x0  }
0xac: {  	[sflag:s22] =	ssyncadd.s32 $0xFFFFC000  }
0xad: {  	[tilespmem:s21], [sflag:$0x5] =	stream.linear.gather [spmem:s10], $0x4000, $0x38;
	[tilespmem:$0x1E900] =	vst v63  }
0xae: {  	_ =	swait.ge [sflag:s22], $0x4000  }
0xaf: {  	[sflag:s22] =	ssyncset.done $0x0  }
0xb0: {  	[sflag:s22] =	ssyncadd.s32 $0xFFFFC000  }
0xb1: {  	[hbm4b:s18+s4] =	stream.linear.scatter [tilespmem:s21], [sflag:$0x5], $0x4000, $0x38;
	[tilespmem:$0x1E900] =	vst v63  }
0xb2: {  	_ =	swait.ge [sflag:s22], $0x4000  }
0xb3: {  	[sflag:s22] =	ssyncset.done $0x0  }
0xb4: {  	[sflag:s22] =	ssyncadd.s32 $0xFFFFC000  }
0xb5: {  	[tilespmem:s21], [sflag:$0x5] =	stream.linear.gather [spmem:s11], $0x4000, $0x38;
	[tilespmem:$0x1E900] =	vst v63  }
0xb6: {  	s2 =	sadd.s32 $0x1, s2;
	_ =	swait.ge [sflag:s22], $0x4000  }
0xb7: {  	p0 =	sne.s32 s2, s20;
	[sflag:s22] =	ssyncset.done $0x0  }
.Ltmp2:
0xb8: {  	[sflag:s22] =	ssyncadd.s32 $0xFFFFC000;
	(pc) =	sbr.rel @p0 .LBB2_1-.Ltmp2, $4  }
0xb9: {  	[hbm4b:s19+s4] =	stream.linear.scatter [tilespmem:s21], [sflag:$0x5], $0x4000, $0x38;
	[tilespmem:$0x1E900] =	vst v63  }
0xba: {  	_ =	swait.ge [sflag:s22], $0x4000  }
0xbb: {  	[sflag:s22] =	ssyncset.done $0x0  }
0xbc: {  	[sflag:s22] =	ssyncadd.s32 $0xFFFFC000  }
0xbd: {  	_ =	sfence.sel $0x180000  }
0xbe: {  	[bflag:$0x0] =	sbarrier.arrive $0xFFFF  }
0xbf: {  	_ =	strace $0x9000004A  }
0xc0: {  	s0 =	stileid.u32;
	[bflag:$0x2] =	sbarrier.arrive $0xFFFF  }
0xc1: {  	p0 =	sne.s32 s0, $0x0;
	s0 =	rddreg [dreg:$0x3]  }
0xc2: {  	s0 =	sadd.s32 @!p0 $0x100000, s0  }
0xc3: {  	[sflag:s0] =	ssyncadd.tile.s32 @!p0 $0x1;
	_ =	shalt  }
.Lfunc_end2:
_tile_overlayer_lowered:
.L_overlay_start_2:
0xc4: {  	(tag) =	ssettag $0x2  }
0xc5: {  	s0 =	rddreg [dreg:$0x0];
	s2 =	stileid.u32  }
0xc6: {  	s1 =	rddreg [dreg:$0x1];
	p0 =	sne.s32 s2, $0x0  }
0xc7: {  	s3 =	rddreg [dreg:$0x2];
	[bflag:$0x3] =	sbarrier.arrive $0xFFFF;
	s2 =	simm.s32 @!p0 $0x1C05  }
0xc8: {  	[timem:s3], [sflag:s2] =	dma.local @!p0 [hbm:s0], s1  }
0xc9: {  	s0 =	simm.s32 @!p0 $0x5  }
0xca: {  	_ =	swait.ge @!p0 [sflag:s0], s1  }
0xcb: {  	s1 =	ssub.s32 @!p0 $0x0, s1;
	[sflag:s0] =	ssyncset.done @!p0 $0x0  }
0xcc: {  	[sflag:s0] =	ssyncadd.s32 @!p0 s1  }
0xcd: {  	[bflag:$0x3] =	sbarrier.arrive $0xFFFF  }
0xce: {  	_ =	shalt  }

</sc_bundles>
